<compile_context>
chip_gen: v7x
topology: tpu7x:2x2x1
jax: 0.10.2.dev20260603
libtpu: 0.0.44.dev20260713+nightly
codegen_flags: <defaults>
</compile_context>

<pallas_src>
import functools

import jax
import jax.numpy as jnp
from jax import lax
from jax.experimental import pallas as pl
from jax.experimental.pallas import tpu as pltpu
from jax.experimental.pallas import tpu_sc as plsc

_INFO = plsc.get_sparse_core_info()
_NC, _NS = _INFO.num_cores, _INFO.num_subcores
_NW = _NC * _NS
_PPB = 56
_LP = 128
_L = 16


@functools.partial(jax.jit, static_argnames=("nbatch", "npb", "d", "sb"))
def _sc_gather(table_p, idxf, *, nbatch, npb, d, sb):
    bat_w = nbatch // _NW
    nsb = bat_w // sb
    mesh = plsc.VectorSubcoreMesh(core_axis_name="c", subcore_axis_name="s")

    @functools.partial(
        pl.kernel,
        mesh=mesh,
        out_type=jax.ShapeDtypeStruct((nbatch, npb, d), jnp.float32),
        compiler_params=pltpu.CompilerParams(use_tc_tiling_on_sc=True),
        scratch_types=[
            pltpu.VMEM((bat_w * _PPB,), jnp.int32),
            pltpu.VMEM((2, sb // 2, 2 * _PPB, _LP), jnp.float32),
            pltpu.VMEM((2, sb, npb, d), jnp.float32),
            [pltpu.SemaphoreType.DMA] * 2,
            [pltpu.SemaphoreType.DMA] * 2,
        ],
    )
    def k(table_hbm, idx_hbm, out_hbm, idx_v, slots_v, stage_v, gsem, osem):
        wid = lax.axis_index("s") * _NC + lax.axis_index("c")
        bbase = wid * bat_w
        pltpu.sync_copy(idx_hbm.at[pl.ds(bbase * _PPB, bat_w * _PPB)], idx_v)

        def gather_copy(s, p, q):
            return pltpu.make_async_copy(
                table_hbm.at[idx_v.at[pl.ds((s * sb + 2 * q) * _PPB, 2 * _PPB)]],
                slots_v.at[p].at[q],
                gsem[p],
            )

        def extract(p):
            def row(r, carry):
                for i in range(sb):
                    q, off = i // 2, (i % 2) * _PPB
                    for c in range(d // _L):
                        stage_v[p, i, r, pl.ds(c * _L, _L)] = slots_v[
                            p, q, off + r, pl.ds(c * _L, _L)
                        ]
                return carry

            lax.fori_loop(0, npb, row, 0)

        def out_copy(s, p):
            return pltpu.make_async_copy(
                stage_v.at[p],
                out_hbm.at[pl.ds(bbase + s * sb, sb)],
                osem[p],
            )

        nq = sb // 2
        for q in range(nq):
            gather_copy(0, 0, q).start()
        for q in range(nq):
            gather_copy(1, 1, q).start()

        def group(g, carry):
            for p in range(2):
                s = g * 2 + p
                for q in range(nq):
                    gather_copy(s, p, q).wait()
                extract(p)
                out_copy(s, p).start()
                out_copy(s, p).wait()
                for q in range(nq):
                    gather_copy(s + 2, p, q).start()
            return carry

        lax.fori_loop(0, nsb // 2 - 1, group, 0)

        for p in range(2):
            s = nsb - 2 + p
            for q in range(nq):
                gather_copy(s, p, q).wait()
            extract(p)
            out_copy(s, p).start()
            out_copy(s, p).wait()

    return k(table_p, idxf)


def kernel(indices, table):
    nbatch, npb = indices.shape
    d = table.shape[1]
    idx32 = indices.astype(jnp.int32)
    idxp = jnp.concatenate([idx32, idx32[:, : _PPB - npb]], axis=1)
    idxf = idxp.reshape(nbatch * _PPB)
    table_p = jnp.pad(table, ((0, 0), (0, _LP - d)))
    return _sc_gather(table_p, idxf, nbatch=nbatch, npb=npb, d=d, sb=4)

# --- scband reference (transcript-rebuilt; emitter-appended) ---
"""Pipeline reference for scband-player-embedding-9328668967213 (READ-ONLY COPY).

The authoritative reference and input builder live on the scoring server;
editing this copy changes nothing except your own understanding.
"""

import jax, jax.numpy as jnp
import numpy as np

NUM_EMBEDDINGS = 100000
EMBEDDING_DIM = 64
PADDING_IDX = NUM_EMBEDDINGS  # default padding_idx = num_embeddings


def setup_inputs(seed: int = 0) -> dict:
    key = jax.random.key(seed)
    k_idx, k_tab = jax.random.split(key)
    indices = jax.random.randint(k_idx, (4096, 50), 0, NUM_EMBEDDINGS, dtype=jnp.int64 if jax.config.jax_enable_x64 else jnp.int32)
    table = jax.random.normal(k_tab, (NUM_EMBEDDINGS + 1, EMBEDDING_DIM), dtype=jnp.float32)
    # nn.Embedding zeroes the padding row at init
    table = table.at[PADDING_IDX].set(0.0)
    return {"indices": indices, "table": table}


def reference(indices, table):
    # forward: emb(indices.clamp(0, num_embeddings))
    clamped = jnp.clip(indices, 0, NUM_EMBEDDINGS)
    return jnp.take(table, clamped, axis=0)

if __name__ == "__main__":
    import jax
    _d = setup_inputs()
    print(jax.jit(kernel)(*tuple(_d.values())))

</pallas_src>

<mosaic_0001>
#map = affine_map<(d0, d1) -> (0, 0)>
#map1 = affine_map<(d0, d1) -> (0)>
#map2 = affine_map<(d0, d1) -> (0, 0, 0)>
module attributes {stable_mosaic.version = 14 : i64} {
  func.func @k(%arg0: i32, %arg1: i32, %arg2: memref<100001x128xf32, #tpu.memory_space<hbm>>, %arg3: memref<229376xi32, #tpu.memory_space<hbm>>, %arg4: memref<4096x50x64xf32, #tpu.memory_space<hbm>>, %arg5: memref<7168xi32, #tpu.memory_space<vmem>>, %arg6: memref<2x2x112x128xf32, #tpu.memory_space<vmem>>, %arg7: memref<2x4x50x64xf32, #tpu.memory_space<vmem>>, %arg8: memref<!tpu.dma_semaphore, #tpu.memory_space<semaphore_mem>>, %arg9: memref<!tpu.dma_semaphore, #tpu.memory_space<semaphore_mem>>, %arg10: memref<!tpu.dma_semaphore, #tpu.memory_space<semaphore_mem>>, %arg11: memref<!tpu.dma_semaphore, #tpu.memory_space<semaphore_mem>>) attributes {dimension_semantics = [#tpu.dimension_semantics<core_parallel>, #tpu.dimension_semantics<subcore_parallel>], iteration_bounds = array<i64: 2, 16>, scalar_prefetch = 0 : i64, scratch_operands = 7 : i64, tpu.core_type = #tpu.core_type<sc_vector_subcore>, window_params = [{transform_indices = #map}, {transform_indices = #map1}, {transform_indices = #map2}]} {
    %mul3A = arith.constant 2 : i32
    %mul3A_0 = arith.muli %arg1, %mul3A : i32
    %add3A = arith.addi %mul3A_0, %arg0 : i32
    %mul3A_1 = arith.constant 128 : i32
    %mul3A_2 = arith.muli %add3A, %mul3A_1 : i32
    %mul3A_3 = arith.constant 56 : i32
    %mul3A_4 = arith.muli %mul3A_2, %mul3A_3 : i32
    "tpu.region"() ({
      %run_scoped3A = tpu.sem_alloc : memref<!tpu.dma_semaphore, #tpu.memory_space<semaphore_mem>>
      %dma_start3A_224 = tpu.memref_slice %arg3[%mul3A_4] : memref<229376xi32, #tpu.memory_space<hbm>> -> memref<7168xi32, #tpu.memory_space<hbm>>
      %dma_start3A_225 = tpu.memref_slice %arg3[%mul3A_4] : memref<229376xi32, #tpu.memory_space<hbm>> -> memref<7168xi32, #tpu.memory_space<hbm>>
      tpu.enqueue_dma source(%dma_start3A_225 : memref<7168xi32, #tpu.memory_space<hbm>>) target(%arg5 : memref<7168xi32, #tpu.memory_space<vmem>>) target_semaphore(%run_scoped3A : memref<!tpu.dma_semaphore, #tpu.memory_space<semaphore_mem>>)
      %dma_wait3A_226 = tpu.memref_slice %arg3[%mul3A_4] : memref<229376xi32, #tpu.memory_space<hbm>> -> memref<7168xi32, #tpu.memory_space<hbm>>
      %dma_wait3A_227 = tpu.memref_slice %arg3[%mul3A_4] : memref<229376xi32, #tpu.memory_space<hbm>> -> memref<7168xi32, #tpu.memory_space<hbm>>
      tpu.wait_dma2 semaphore(%run_scoped3A : memref<!tpu.dma_semaphore, #tpu.memory_space<semaphore_mem>>) src(%dma_wait3A_227 : memref<7168xi32, #tpu.memory_space<hbm>>) dst(%arg5 : memref<7168xi32, #tpu.memory_space<vmem>>)
      tpu.yield
    }) : () -> ()
    %dma_start3A = arith.constant 0 : i32
    %dma_start3A_5 = arith.constant 0 : i32
    %dma_start3A_6 = arith.constant 0 : i32
    %dma_start3A_7 = arith.constant 0 : i32
    %dma_start3A_8 = arith.constant 0 : i32
    %dma_start3A_9 = tpu.memref_slice %arg6[%dma_start3A, %dma_start3A_6, %dma_start3A_7, %dma_start3A_8] : memref<2x2x112x128xf32, #tpu.memory_space<vmem>> -> memref<1x2x112x128xf32, #tpu.memory_space<vmem>>
    %dma_start3A_10 = tpu.memref_squeeze %dma_start3A_9 : memref<1x2x112x128xf32, #tpu.memory_space<vmem>> -> memref<2x112x128xf32, #tpu.memory_space<vmem>>
    %dma_start3A_11 = arith.constant 0 : i32
    %dma_start3A_12 = arith.constant 0 : i32
    %dma_start3A_13 = tpu.memref_slice %dma_start3A_10[%dma_start3A_5, %dma_start3A_11, %dma_start3A_12] : memref<2x112x128xf32, #tpu.memory_space<vmem>> -> memref<1x112x128xf32, #tpu.memory_space<vmem>>
    %dma_start3A_14 = tpu.memref_squeeze %dma_start3A_13 : memref<1x112x128xf32, #tpu.memory_space<vmem>> -> memref<112x128xf32, #tpu.memory_space<vmem>>
    %dma_start3A_15 = arith.constant 0 : i32
    %dma_start3A_16 = tpu.memref_slice %arg5[%dma_start3A_15] : memref<7168xi32, #tpu.memory_space<vmem>> -> memref<112xi32, #tpu.memory_space<vmem>>
    %dma_start3A_17 = arith.constant 0 : i32
    %dma_start3A_18 = arith.constant 0 : i32
    %dma_start3A_19 = tpu.memref_slice %arg2[%dma_start3A_17, %dma_start3A_18] : memref<100001x128xf32, #tpu.memory_space<hbm>> -> memref<100001x128xf32, #tpu.memory_space<hbm>>
    tpu.enqueue_indirect_dma source(%dma_start3A_19 : memref<100001x128xf32, #tpu.memory_space<hbm>>) target(%dma_start3A_14 : memref<112x128xf32, #tpu.memory_space<vmem>>) offsets(%dma_start3A_16 : memref<112xi32, #tpu.memory_space<vmem>>) semaphore(%arg8 : memref<!tpu.dma_semaphore, #tpu.memory_space<semaphore_mem>>)
    %dma_start3A_20 = arith.constant 0 : i32
    %dma_start3A_21 = arith.constant 1 : i32
    %dma_start3A_22 = arith.constant 0 : i32
    %dma_start3A_23 = arith.constant 0 : i32
    %dma_start3A_24 = arith.constant 0 : i32
    %dma_start3A_25 = tpu.memref_slice %arg6[%dma_start3A_20, %dma_start3A_22, %dma_start3A_23, %dma_start3A_24] : memref<2x2x112x128xf32, #tpu.memory_space<vmem>> -> memref<1x2x112x128xf32, #tpu.memory_space<vmem>>
    %dma_start3A_26 = tpu.memref_squeeze %dma_start3A_25 : memref<1x2x112x128xf32, #tpu.memory_space<vmem>> -> memref<2x112x128xf32, #tpu.memory_space<vmem>>
    %dma_start3A_27 = arith.constant 0 : i32
    %dma_start3A_28 = arith.constant 0 : i32
    %dma_start3A_29 = tpu.memref_slice %dma_start3A_26[%dma_start3A_21, %dma_start3A_27, %dma_start3A_28] : memref<2x112x128xf32, #tpu.memory_space<vmem>> -> memref<1x112x128xf32, #tpu.memory_space<vmem>>
    %dma_start3A_30 = tpu.memref_squeeze %dma_start3A_29 : memref<1x112x128xf32, #tpu.memory_space<vmem>> -> memref<112x128xf32, #tpu.memory_space<vmem>>
    %dma_start3A_31 = arith.constant 112 : i32
    %dma_start3A_32 = tpu.memref_slice %arg5[%dma_start3A_31] : memref<7168xi32, #tpu.memory_space<vmem>> -> memref<112xi32, #tpu.memory_space<vmem>>
    %dma_start3A_33 = arith.constant 0 : i32
    %dma_start3A_34 = arith.constant 0 : i32
    %dma_start3A_35 = tpu.memref_slice %arg2[%dma_start3A_33, %dma_start3A_34] : memref<100001x128xf32, #tpu.memory_space<hbm>> -> memref<100001x128xf32, #tpu.memory_space<hbm>>
    tpu.enqueue_indirect_dma source(%dma_start3A_35 : memref<100001x128xf32, #tpu.memory_space<hbm>>) target(%dma_start3A_30 : memref<112x128xf32, #tpu.memory_space<vmem>>) offsets(%dma_start3A_32 : memref<112xi32, #tpu.memory_space<vmem>>) semaphore(%arg8 : memref<!tpu.dma_semaphore, #tpu.memory_space<semaphore_mem>>)
    %dma_start3A_36 = arith.constant 1 : i32
    %dma_start3A_37 = arith.constant 0 : i32
    %dma_start3A_38 = arith.constant 0 : i32
    %dma_start3A_39 = arith.constant 0 : i32
    %dma_start3A_40 = arith.constant 0 : i32
    %dma_start3A_41 = tpu.memref_slice %arg6[%dma_start3A_36, %dma_start3A_38, %dma_start3A_39, %dma_start3A_40] : memref<2x2x112x128xf32, #tpu.memory_space<vmem>> -> memref<1x2x112x128xf32, #tpu.memory_space<vmem>>
    %dma_start3A_42 = tpu.memref_squeeze %dma_start3A_41 : memref<1x2x112x128xf32, #tpu.memory_space<vmem>> -> memref<2x112x128xf32, #tpu.memory_space<vmem>>
    %dma_start3A_43 = arith.constant 0 : i32
    %dma_start3A_44 = arith.constant 0 : i32
    %dma_start3A_45 = tpu.memref_slice %dma_start3A_42[%dma_start3A_37, %dma_start3A_43, %dma_start3A_44] : memref<2x112x128xf32, #tpu.memory_space<vmem>> -> memref<1x112x128xf32, #tpu.memory_space<vmem>>
    %dma_start3A_46 = tpu.memref_squeeze %dma_start3A_45 : memref<1x112x128xf32, #tpu.memory_space<vmem>> -> memref<112x128xf32, #tpu.memory_space<vmem>>
    %dma_start3A_47 = arith.constant 224 : i32
    %dma_start3A_48 = tpu.memref_slice %arg5[%dma_start3A_47] : memref<7168xi32, #tpu.memory_space<vmem>> -> memref<112xi32, #tpu.memory_space<vmem>>
    %dma_start3A_49 = arith.constant 0 : i32
    %dma_start3A_50 = arith.constant 0 : i32
    %dma_start3A_51 = tpu.memref_slice %arg2[%dma_start3A_49, %dma_start3A_50] : memref<100001x128xf32, #tpu.memory_space<hbm>> -> memref<100001x128xf32, #tpu.memory_space<hbm>>
    tpu.enqueue_indirect_dma source(%dma_start3A_51 : memref<100001x128xf32, #tpu.memory_space<hbm>>) target(%dma_start3A_46 : memref<112x128xf32, #tpu.memory_space<vmem>>) offsets(%dma_start3A_48 : memref<112xi32, #tpu.memory_space<vmem>>) semaphore(%arg9 : memref<!tpu.dma_semaphore, #tpu.memory_space<semaphore_mem>>)
    %dma_start3A_52 = arith.constant 1 : i32
    %dma_start3A_53 = arith.constant 1 : i32
    %dma_start3A_54 = arith.constant 0 : i32
    %dma_start3A_55 = arith.constant 0 : i32
    %dma_start3A_56 = arith.constant 0 : i32
    %dma_start3A_57 = tpu.memref_slice %arg6[%dma_start3A_52, %dma_start3A_54, %dma_start3A_55, %dma_start3A_56] : memref<2x2x112x128xf32, #tpu.memory_space<vmem>> -> memref<1x2x112x128xf32, #tpu.memory_space<vmem>>
    %dma_start3A_58 = tpu.memref_squeeze %dma_start3A_57 : memref<1x2x112x128xf32, #tpu.memory_space<vmem>> -> memref<2x112x128xf32, #tpu.memory_space<vmem>>
    %dma_start3A_59 = arith.constant 0 : i32
    %dma_start3A_60 = arith.constant 0 : i32
    %dma_start3A_61 = tpu.memref_slice %dma_start3A_58[%dma_start3A_53, %dma_start3A_59, %dma_start3A_60] : memref<2x112x128xf32, #tpu.memory_space<vmem>> -> memref<1x112x128xf32, #tpu.memory_space<vmem>>
    %dma_start3A_62 = tpu.memref_squeeze %dma_start3A_61 : memref<1x112x128xf32, #tpu.memory_space<vmem>> -> memref<112x128xf32, #tpu.memory_space<vmem>>
    %dma_start3A_63 = arith.constant 336 : i32
    %dma_start3A_64 = tpu.memref_slice %arg5[%dma_start3A_63] : memref<7168xi32, #tpu.memory_space<vmem>> -> memref<112xi32, #tpu.memory_space<vmem>>
    %dma_start3A_65 = arith.constant 0 : i32
    %dma_start3A_66 = arith.constant 0 : i32
    %dma_start3A_67 = tpu.memref_slice %arg2[%dma_start3A_65, %dma_start3A_66] : memref<100001x128xf32, #tpu.memory_space<hbm>> -> memref<100001x128xf32, #tpu.memory_space<hbm>>
    tpu.enqueue_indirect_dma source(%dma_start3A_67 : memref<100001x128xf32, #tpu.memory_space<hbm>>) target(%dma_start3A_62 : memref<112x128xf32, #tpu.memory_space<vmem>>) offsets(%dma_start3A_64 : memref<112xi32, #tpu.memory_space<vmem>>) semaphore(%arg9 : memref<!tpu.dma_semaphore, #tpu.memory_space<semaphore_mem>>)
    %scan3A = arith.constant 0 : i32
    %scan3A_68 = arith.constant 0 : i32
    %scan3A_69 = arith.constant 15 : i32
    %scan3A_70 = arith.addi %scan3A_68, %scan3A_69 : i32
    %scan3A_71 = arith.constant 1 : i32
    scf.for %scan3A_224 = %scan3A_68 to %scan3A_70 step %scan3A_71  : i32 {
      %mul3A_225 = arith.constant 2 : i32
      %mul3A_226 = arith.muli %scan3A_224, %mul3A_225 : i32
      %add3A_227 = arith.constant 0 : i32
      %add3A_228 = arith.addi %mul3A_226, %add3A_227 : i32
      %mul3A_229 = arith.constant 4 : i32
      %mul3A_230 = arith.muli %add3A_228, %mul3A_229 : i32
      %add3A_231 = arith.constant 0 : i32
      %add3A_232 = arith.addi %mul3A_230, %add3A_231 : i32
      %mul3A_233 = arith.constant 56 : i32
      %mul3A_234 = arith.muli %add3A_232, %mul3A_233 : i32
      %dma_wait3A_235 = arith.constant 0 : i32
      %dma_wait3A_236 = arith.constant 0 : i32
      %dma_wait3A_237 = arith.constant 0 : i32
      %dma_wait3A_238 = arith.constant 0 : i32
      %dma_wait3A_239 = arith.constant 0 : i32
      %dma_wait3A_240 = tpu.memref_slice %arg6[%dma_wait3A_235, %dma_wait3A_237, %dma_wait3A_238, %dma_wait3A_239] : memref<2x2x112x128xf32, #tpu.memory_space<vmem>> -> memref<1x2x112x128xf32, #tpu.memory_space<vmem>>
      %dma_wait3A_241 = tpu.memref_squeeze %dma_wait3A_240 : memref<1x2x112x128xf32, #tpu.memory_space<vmem>> -> memref<2x112x128xf32, #tpu.memory_space<vmem>>
      %dma_wait3A_242 = arith.constant 0 : i32
      %dma_wait3A_243 = arith.constant 0 : i32
      %dma_wait3A_244 = tpu.memref_slice %dma_wait3A_241[%dma_wait3A_236, %dma_wait3A_242, %dma_wait3A_243] : memref<2x112x128xf32, #tpu.memory_space<vmem>> -> memref<1x112x128xf32, #tpu.memory_space<vmem>>
      %dma_wait3A_245 = tpu.memref_squeeze %dma_wait3A_244 : memref<1x112x128xf32, #tpu.memory_space<vmem>> -> memref<112x128xf32, #tpu.memory_space<vmem>>
      %dma_wait3A_246 = tpu.memref_slice %arg5[%mul3A_234] : memref<7168xi32, #tpu.memory_space<vmem>> -> memref<112xi32, #tpu.memory_space<vmem>>
      %dma_wait3A_247 = arith.constant 0 : i32
      %dma_wait3A_248 = arith.constant 0 : i32
      %dma_wait3A_249 = tpu.memref_slice %arg2[%dma_wait3A_247, %dma_wait3A_248] : memref<100001x128xf32, #tpu.memory_space<hbm>> -> memref<100001x128xf32, #tpu.memory_space<hbm>>
      tpu.wait_indirect_dma semaphore(%arg8 : memref<!tpu.dma_semaphore, #tpu.memory_space<semaphore_mem>>) src(%dma_wait3A_249 : memref<100001x128xf32, #tpu.memory_space<hbm>>) dst(%dma_wait3A_245 : memref<112x128xf32, #tpu.memory_space<vmem>>)
      %mul3A_250 = arith.constant 4 : i32
      %mul3A_251 = arith.muli %add3A_228, %mul3A_250 : i32
      %add3A_252 = arith.constant 2 : i32
      %add3A_253 = arith.addi %mul3A_251, %add3A_252 : i32
      %mul3A_254 = arith.constant 56 : i32
      %mul3A_255 = arith.muli %add3A_253, %mul3A_254 : i32
      %dma_wait3A_256 = arith.constant 0 : i32
      %dma_wait3A_257 = arith.constant 1 : i32
      %dma_wait3A_258 = arith.constant 0 : i32
      %dma_wait3A_259 = arith.constant 0 : i32
      %dma_wait3A_260 = arith.constant 0 : i32
      %dma_wait3A_261 = tpu.memref_slice %arg6[%dma_wait3A_256, %dma_wait3A_258, %dma_wait3A_259, %dma_wait3A_260] : memref<2x2x112x128xf32, #tpu.memory_space<vmem>> -> memref<1x2x112x128xf32, #tpu.memory_space<vmem>>
      %dma_wait3A_262 = tpu.memref_squeeze %dma_wait3A_261 : memref<1x2x112x128xf32, #tpu.memory_space<vmem>> -> memref<2x112x128xf32, #tpu.memory_space<vmem>>
      %dma_wait3A_263 = arith.constant 0 : i32
      %dma_wait3A_264 = arith.constant 0 : i32
      %dma_wait3A_265 = tpu.memref_slice %dma_wait3A_262[%dma_wait3A_257, %dma_wait3A_263, %dma_wait3A_264] : memref<2x112x128xf32, #tpu.memory_space<vmem>> -> memref<1x112x128xf32, #tpu.memory_space<vmem>>
      %dma_wait3A_266 = tpu.memref_squeeze %dma_wait3A_265 : memref<1x112x128xf32, #tpu.memory_space<vmem>> -> memref<112x128xf32, #tpu.memory_space<vmem>>
      %dma_wait3A_267 = tpu.memref_slice %arg5[%mul3A_255] : memref<7168xi32, #tpu.memory_space<vmem>> -> memref<112xi32, #tpu.memory_space<vmem>>
      %dma_wait3A_268 = arith.constant 0 : i32
      %dma_wait3A_269 = arith.constant 0 : i32
      %dma_wait3A_270 = tpu.memref_slice %arg2[%dma_wait3A_268, %dma_wait3A_269] : memref<100001x128xf32, #tpu.memory_space<hbm>> -> memref<100001x128xf32, #tpu.memory_space<hbm>>
      tpu.wait_indirect_dma semaphore(%arg8 : memref<!tpu.dma_semaphore, #tpu.memory_space<semaphore_mem>>) src(%dma_wait3A_270 : memref<100001x128xf32, #tpu.memory_space<hbm>>) dst(%dma_wait3A_266 : memref<112x128xf32, #tpu.memory_space<vmem>>)
      %scan3A_271 = arith.constant 0 : i32
      %scan3A_272 = arith.constant 0 : i32
      %scan3A_273 = arith.constant 50 : i32
      %scan3A_274 = arith.addi %scan3A_272, %scan3A_273 : i32
      %scan3A_275 = arith.constant 1 : i32
      scf.for %scan3A_501 = %scan3A_272 to %scan3A_274 step %scan3A_275  : i32 {
        %add3A_502 = arith.constant 0 : i32
        %add3A_503 = arith.addi %add3A_502, %scan3A_501 : i32
        %get3A = arith.constant 0 : i32
        %get3A_504 = arith.constant 0 : i32
        %get3A_505 = arith.index_cast %get3A : i32 to index
        %get3A_506 = arith.index_cast %get3A_504 : i32 to index
        %get3A_507 = arith.index_cast %add3A_503 : i32 to index
        %get3A_508 = arith.constant 0 : index
        %get3A_509 = tpu.vector_load %arg6[%get3A_505, %get3A_506, %get3A_507, %get3A_508] {strides = array<i32>} : memref<2x2x112x128xf32, #tpu.memory_space<vmem>>, vector<1x1x1x16xf32>,
        %get3A_510 = vector.shape_cast %get3A_509 : vector<1x1x1x16xf32> to vector<16xf32>
        %swap3A = arith.constant 0 : i32
        %swap3A_511 = arith.constant 0 : i32
        %swap3A_512 = arith.index_cast %swap3A : i32 to index
        %swap3A_513 = arith.index_cast %swap3A_511 : i32 to index
        %swap3A_514 = arith.index_cast %scan3A_501 : i32 to index
        %swap3A_515 = arith.constant 0 : index
        %swap3A_516 = tpu.vector_load %arg7[%swap3A_512, %swap3A_513, %swap3A_514, %swap3A_515] {strides = array<i32>} : memref<2x4x50x64xf32, #tpu.memory_space<vmem>>, vector<1x1x1x16xf32>,
        %swap3A_517 = vector.shape_cast %swap3A_516 : vector<1x1x1x16xf32> to vector<16xf32>
        %swap3A_518 = vector.shape_cast %get3A_510 : vector<16xf32> to vector<1x1x1x16xf32>
        tpu.vector_store %arg7[%swap3A_512, %swap3A_513, %swap3A_514, %swap3A_515], %swap3A_518 {strides = array<i32>} : memref<2x4x50x64xf32, #tpu.memory_space<vmem>>, vector<1x1x1x16xf32>,
        %add3A_519 = arith.constant 0 : i32
        %add3A_520 = arith.addi %add3A_519, %scan3A_501 : i32
        %get3A_521 = arith.constant 0 : i32
        %get3A_522 = arith.constant 0 : i32
        %get3A_523 = arith.index_cast %get3A_521 : i32 to index
        %get3A_524 = arith.index_cast %get3A_522 : i32 to index
        %get3A_525 = arith.index_cast %add3A_520 : i32 to index
        %get3A_526 = arith.constant 16 : index
        %get3A_527 = tpu.vector_load %arg6[%get3A_523, %get3A_524, %get3A_525, %get3A_526] {strides = array<i32>} : memref<2x2x112x128xf32, #tpu.memory_space<vmem>>, vector<1x1x1x16xf32>,
        %get3A_528 = vector.shape_cast %get3A_527 : vector<1x1x1x16xf32> to vector<16xf32>
        %swap3A_529 = arith.constant 0 : i32
        %swap3A_530 = arith.constant 0 : i32
        %swap3A_531 = arith.index_cast %swap3A_529 : i32 to index
        %swap3A_532 = arith.index_cast %swap3A_530 : i32 to index
        %swap3A_533 = arith.index_cast %scan3A_501 : i32 to index
        %swap3A_534 = arith.constant 16 : index
        %swap3A_535 = tpu.vector_load %arg7[%swap3A_531, %swap3A_532, %swap3A_533, %swap3A_534] {strides = array<i32>} : memref<2x4x50x64xf32, #tpu.memory_space<vmem>>, vector<1x1x1x16xf32>,
        %swap3A_536 = vector.shape_cast %swap3A_535 : vector<1x1x1x16xf32> to vector<16xf32>
        %swap3A_537 = vector.shape_cast %get3A_528 : vector<16xf32> to vector<1x1x1x16xf32>
        tpu.vector_store %arg7[%swap3A_531, %swap3A_532, %swap3A_533, %swap3A_534], %swap3A_537 {strides = array<i32>} : memref<2x4x50x64xf32, #tpu.memory_space<vmem>>, vector<1x1x1x16xf32>,
        %add3A_538 = arith.constant 0 : i32
        %add3A_539 = arith.addi %add3A_538, %scan3A_501 : i32
        %get3A_540 = arith.constant 0 : i32
        %get3A_541 = arith.constant 0 : i32
        %get3A_542 = arith.index_cast %get3A_540 : i32 to index
        %get3A_543 = arith.index_cast %get3A_541 : i32 to index
        %get3A_544 = arith.index_cast %add3A_539 : i32 to index
        %get3A_545 = arith.constant 32 : index
        %get3A_546 = tpu.vector_load %arg6[%get3A_542, %get3A_543, %get3A_544, %get3A_545] {strides = array<i32>} : memref<2x2x112x128xf32, #tpu.memory_space<vmem>>, vector<1x1x1x16xf32>,
        %get3A_547 = vector.shape_cast %get3A_546 : vector<1x1x1x16xf32> to vector<16xf32>
        %swap3A_548 = arith.constant 0 : i32
        %swap3A_549 = arith.constant 0 : i32
        %swap3A_550 = arith.index_cast %swap3A_548 : i32 to index
        %swap3A_551 = arith.index_cast %swap3A_549 : i32 to index
        %swap3A_552 = arith.index_cast %scan3A_501 : i32 to index
        %swap3A_553 = arith.constant 32 : index
        %swap3A_554 = tpu.vector_load %arg7[%swap3A_550, %swap3A_551, %swap3A_552, %swap3A_553] {strides = array<i32>} : memref<2x4x50x64xf32, #tpu.memory_space<vmem>>, vector<1x1x1x16xf32>,
        %swap3A_555 = vector.shape_cast %swap3A_554 : vector<1x1x1x16xf32> to vector<16xf32>
        %swap3A_556 = vector.shape_cast %get3A_547 : vector<16xf32> to vector<1x1x1x16xf32>
        tpu.vector_store %arg7[%swap3A_550, %swap3A_551, %swap3A_552, %swap3A_553], %swap3A_556 {strides = array<i32>} : memref<2x4x50x64xf32, #tpu.memory_space<vmem>>, vector<1x1x1x16xf32>,
        %add3A_557 = arith.constant 0 : i32
        %add3A_558 = arith.addi %add3A_557, %scan3A_501 : i32
        %get3A_559 = arith.constant 0 : i32
        %get3A_560 = arith.constant 0 : i32
        %get3A_561 = arith.index_cast %get3A_559 : i32 to index
        %get3A_562 = arith.index_cast %get3A_560 : i32 to index
        %get3A_563 = arith.index_cast %add3A_558 : i32 to index
        %get3A_564 = arith.constant 48 : index
        %get3A_565 = tpu.vector_load %arg6[%get3A_561, %get3A_562, %get3A_563, %get3A_564] {strides = array<i32>} : memref<2x2x112x128xf32, #tpu.memory_space<vmem>>, vector<1x1x1x16xf32>,
        %get3A_566 = vector.shape_cast %get3A_565 : vector<1x1x1x16xf32> to vector<16xf32>
        %swap3A_567 = arith.constant 0 : i32
        %swap3A_568 = arith.constant 0 : i32
        %swap3A_569 = arith.index_cast %swap3A_567 : i32 to index
        %swap3A_570 = arith.index_cast %swap3A_568 : i32 to index
        %swap3A_571 = arith.index_cast %scan3A_501 : i32 to index
        %swap3A_572 = arith.constant 48 : index
        %swap3A_573 = tpu.vector_load %arg7[%swap3A_569, %swap3A_570, %swap3A_571, %swap3A_572] {strides = array<i32>} : memref<2x4x50x64xf32, #tpu.memory_space<vmem>>, vector<1x1x1x16xf32>,
        %swap3A_574 = vector.shape_cast %swap3A_573 : vector<1x1x1x16xf32> to vector<16xf32>
        %swap3A_575 = vector.shape_cast %get3A_566 : vector<16xf32> to vector<1x1x1x16xf32>
        tpu.vector_store %arg7[%swap3A_569, %swap3A_570, %swap3A_571, %swap3A_572], %swap3A_575 {strides = array<i32>} : memref<2x4x50x64xf32, #tpu.memory_space<vmem>>, vector<1x1x1x16xf32>,
        %add3A_576 = arith.constant 56 : i32
        %add3A_577 = arith.addi %add3A_576, %scan3A_501 : i32
        %get3A_578 = arith.constant 0 : i32
        %get3A_579 = arith.constant 0 : i32
        %get3A_580 = arith.index_cast %get3A_578 : i32 to index
        %get3A_581 = arith.index_cast %get3A_579 : i32 to index
        %get3A_582 = arith.index_cast %add3A_577 : i32 to index
        %get3A_583 = arith.constant 0 : index
        %get3A_584 = tpu.vector_load %arg6[%get3A_580, %get3A_581, %get3A_582, %get3A_583] {strides = array<i32>} : memref<2x2x112x128xf32, #tpu.memory_space<vmem>>, vector<1x1x1x16xf32>,
        %get3A_585 = vector.shape_cast %get3A_584 : vector<1x1x1x16xf32> to vector<16xf32>
        %swap3A_586 = arith.constant 0 : i32
        %swap3A_587 = arith.constant 1 : i32
        %swap3A_588 = arith.index_cast %swap3A_586 : i32 to index
        %swap3A_589 = arith.index_cast %swap3A_587 : i32 to index
        %swap3A_590 = arith.index_cast %scan3A_501 : i32 to index
        %swap3A_591 = arith.constant 0 : index
        %swap3A_592 = tpu.vector_load %arg7[%swap3A_588, %swap3A_589, %swap3A_590, %swap3A_591] {strides = array<i32>} : memref<2x4x50x64xf32, #tpu.memory_space<vmem>>, vector<1x1x1x16xf32>,
        %swap3A_593 = vector.shape_cast %swap3A_592 : vector<1x1x1x16xf32> to vector<16xf32>
        %swap3A_594 = vector.shape_cast %get3A_585 : vector<16xf32> to vector<1x1x1x16xf32>
        tpu.vector_store %arg7[%swap3A_588, %swap3A_589, %swap3A_590, %swap3A_591], %swap3A_594 {strides = array<i32>} : memref<2x4x50x64xf32, #tpu.memory_space<vmem>>, vector<1x1x1x16xf32>,
        %add3A_595 = arith.constant 56 : i32
        %add3A_596 = arith.addi %add3A_595, %scan3A_501 : i32
        %get3A_597 = arith.constant 0 : i32
        %get3A_598 = arith.constant 0 : i32
        %get3A_599 = arith.index_cast %get3A_597 : i32 to index
        %get3A_600 = arith.index_cast %get3A_598 : i32 to index
        %get3A_601 = arith.index_cast %add3A_596 : i32 to index
        %get3A_602 = arith.constant 16 : index
        %get3A_603 = tpu.vector_load %arg6[%get3A_599, %get3A_600, %get3A_601, %get3A_602] {strides = array<i32>} : memref<2x2x112x128xf32, #tpu.memory_space<vmem>>, vector<1x1x1x16xf32>,
        %get3A_604 = vector.shape_cast %get3A_603 : vector<1x1x1x16xf32> to vector<16xf32>
        %swap3A_605 = arith.constant 0 : i32
        %swap3A_606 = arith.constant 1 : i32
        %swap3A_607 = arith.index_cast %swap3A_605 : i32 to index
        %swap3A_608 = arith.index_cast %swap3A_606 : i32 to index
        %swap3A_609 = arith.index_cast %scan3A_501 : i32 to index
        %swap3A_610 = arith.constant 16 : index
        %swap3A_611 = tpu.vector_load %arg7[%swap3A_607, %swap3A_608, %swap3A_609, %swap3A_610] {strides = array<i32>} : memref<2x4x50x64xf32, #tpu.memory_space<vmem>>, vector<1x1x1x16xf32>,
        %swap3A_612 = vector.shape_cast %swap3A_611 : vector<1x1x1x16xf32> to vector<16xf32>
        %swap3A_613 = vector.shape_cast %get3A_604 : vector<16xf32> to vector<1x1x1x16xf32>
        tpu.vector_store %arg7[%swap3A_607, %swap3A_608, %swap3A_609, %swap3A_610], %swap3A_613 {strides = array<i32>} : memref<2x4x50x64xf32, #tpu.memory_space<vmem>>, vector<1x1x1x16xf32>,
        %add3A_614 = arith.constant 56 : i32
        %add3A_615 = arith.addi %add3A_614, %scan3A_501 : i32
        %get3A_616 = arith.constant 0 : i32
        %get3A_617 = arith.constant 0 : i32
        %get3A_618 = arith.index_cast %get3A_616 : i32 to index
        %get3A_619 = arith.index_cast %get3A_617 : i32 to index
        %get3A_620 = arith.index_cast %add3A_615 : i32 to index
        %get3A_621 = arith.constant 32 : index
        %get3A_622 = tpu.vector_load %arg6[%get3A_618, %get3A_619, %get3A_620, %get3A_621] {strides = array<i32>} : memref<2x2x112x128xf32, #tpu.memory_space<vmem>>, vector<1x1x1x16xf32>,
        %get3A_623 = vector.shape_cast %get3A_622 : vector<1x1x1x16xf32> to vector<16xf32>
        %swap3A_624 = arith.constant 0 : i32
        %swap3A_625 = arith.constant 1 : i32
        %swap3A_626 = arith.index_cast %swap3A_624 : i32 to index
        %swap3A_627 = arith.index_cast %swap3A_625 : i32 to index
        %swap3A_628 = arith.index_cast %scan3A_501 : i32 to index
        %swap3A_629 = arith.constant 32 : index
        %swap3A_630 = tpu.vector_load %arg7[%swap3A_626, %swap3A_627, %swap3A_628, %swap3A_629] {strides = array<i32>} : memref<2x4x50x64xf32, #tpu.memory_space<vmem>>, vector<1x1x1x16xf32>,
        %swap3A_631 = vector.shape_cast %swap3A_630 : vector<1x1x1x16xf32> to vector<16xf32>
        %swap3A_632 = vector.shape_cast %get3A_623 : vector<16xf32> to vector<1x1x1x16xf32>
        tpu.vector_store %arg7[%swap3A_626, %swap3A_627, %swap3A_628, %swap3A_629], %swap3A_632 {strides = array<i32>} : memref<2x4x50x64xf32, #tpu.memory_space<vmem>>, vector<1x1x1x16xf32>,
        %add3A_633 = arith.constant 56 : i32
        %add3A_634 = arith.addi %add3A_633, %scan3A_501 : i32
        %get3A_635 = arith.constant 0 : i32
        %get3A_636 = arith.constant 0 : i32
        %get3A_637 = arith.index_cast %get3A_635 : i32 to index
        %get3A_638 = arith.index_cast %get3A_636 : i32 to index
        %get3A_639 = arith.index_cast %add3A_634 : i32 to index
        %get3A_640 = arith.constant 48 : index
        %get3A_641 = tpu.vector_load %arg6[%get3A_637, %get3A_638, %get3A_639, %get3A_640] {strides = array<i32>} : memref<2x2x112x128xf32, #tpu.memory_space<vmem>>, vector<1x1x1x16xf32>,
        %get3A_642 = vector.shape_cast %get3A_641 : vector<1x1x1x16xf32> to vector<16xf32>
        %swap3A_643 = arith.constant 0 : i32
        %swap3A_644 = arith.constant 1 : i32
        %swap3A_645 = arith.index_cast %swap3A_643 : i32 to index
        %swap3A_646 = arith.index_cast %swap3A_644 : i32 to index
        %swap3A_647 = arith.index_cast %scan3A_501 : i32 to index
        %swap3A_648 = arith.constant 48 : index
        %swap3A_649 = tpu.vector_load %arg7[%swap3A_645, %swap3A_646, %swap3A_647, %swap3A_648] {strides = array<i32>} : memref<2x4x50x64xf32, #tpu.memory_space<vmem>>, vector<1x1x1x16xf32>,
        %swap3A_650 = vector.shape_cast %swap3A_649 : vector<1x1x1x16xf32> to vector<16xf32>
        %swap3A_651 = vector.shape_cast %get3A_642 : vector<16xf32> to vector<1x1x1x16xf32>
        tpu.vector_store %arg7[%swap3A_645, %swap3A_646, %swap3A_647, %swap3A_648], %swap3A_651 {strides = array<i32>} : memref<2x4x50x64xf32, #tpu.memory_space<vmem>>, vector<1x1x1x16xf32>,
        %add3A_652 = arith.constant 0 : i32
        %add3A_653 = arith.addi %add3A_652, %scan3A_501 : i32
        %get3A_654 = arith.constant 0 : i32
        %get3A_655 = arith.constant 1 : i32
        %get3A_656 = arith.index_cast %get3A_654 : i32 to index
        %get3A_657 = arith.index_cast %get3A_655 : i32 to index
        %get3A_658 = arith.index_cast %add3A_653 : i32 to index
        %get3A_659 = arith.constant 0 : index
        %get3A_660 = tpu.vector_load %arg6[%get3A_656, %get3A_657, %get3A_658, %get3A_659] {strides = array<i32>} : memref<2x2x112x128xf32, #tpu.memory_space<vmem>>, vector<1x1x1x16xf32>,
        %get3A_661 = vector.shape_cast %get3A_660 : vector<1x1x1x16xf32> to vector<16xf32>
        %swap3A_662 = arith.constant 0 : i32
        %swap3A_663 = arith.constant 2 : i32
        %swap3A_664 = arith.index_cast %swap3A_662 : i32 to index
        %swap3A_665 = arith.index_cast %swap3A_663 : i32 to index
        %swap3A_666 = arith.index_cast %scan3A_501 : i32 to index
        %swap3A_667 = arith.constant 0 : index
        %swap3A_668 = tpu.vector_load %arg7[%swap3A_664, %swap3A_665, %swap3A_666, %swap3A_667] {strides = array<i32>} : memref<2x4x50x64xf32, #tpu.memory_space<vmem>>, vector<1x1x1x16xf32>,
        %swap3A_669 = vector.shape_cast %swap3A_668 : vector<1x1x1x16xf32> to vector<16xf32>
        %swap3A_670 = vector.shape_cast %get3A_661 : vector<16xf32> to vector<1x1x1x16xf32>
        tpu.vector_store %arg7[%swap3A_664, %swap3A_665, %swap3A_666, %swap3A_667], %swap3A_670 {strides = array<i32>} : memref<2x4x50x64xf32, #tpu.memory_space<vmem>>, vector<1x1x1x16xf32>,
        %add3A_671 = arith.constant 0 : i32
        %add3A_672 = arith.addi %add3A_671, %scan3A_501 : i32
        %get3A_673 = arith.constant 0 : i32
        %get3A_674 = arith.constant 1 : i32
        %get3A_675 = arith.index_cast %get3A_673 : i32 to index
        %get3A_676 = arith.index_cast %get3A_674 : i32 to index
        %get3A_677 = arith.index_cast %add3A_672 : i32 to index
        %get3A_678 = arith.constant 16 : index
        %get3A_679 = tpu.vector_load %arg6[%get3A_675, %get3A_676, %get3A_677, %get3A_678] {strides = array<i32>} : memref<2x2x112x128xf32, #tpu.memory_space<vmem>>, vector<1x1x1x16xf32>,
        %get3A_680 = vector.shape_cast %get3A_679 : vector<1x1x1x16xf32> to vector<16xf32>
        %swap3A_681 = arith.constant 0 : i32
        %swap3A_682 = arith.constant 2 : i32
        %swap3A_683 = arith.index_cast %swap3A_681 : i32 to index
        %swap3A_684 = arith.index_cast %swap3A_682 : i32 to index
        %swap3A_685 = arith.index_cast %scan3A_501 : i32 to index
        %swap3A_686 = arith.constant 16 : index
        %swap3A_687 = tpu.vector_load %arg7[%swap3A_683, %swap3A_684, %swap3A_685, %swap3A_686] {strides = array<i32>} : memref<2x4x50x64xf32, #tpu.memory_space<vmem>>, vector<1x1x1x16xf32>,
        %swap3A_688 = vector.shape_cast %swap3A_687 : vector<1x1x1x16xf32> to vector<16xf32>
        %swap3A_689 = vector.shape_cast %get3A_680 : vector<16xf32> to vector<1x1x1x16xf32>
        tpu.vector_store %arg7[%swap3A_683, %swap3A_684, %swap3A_685, %swap3A_686], %swap3A_689 {strides = array<i32>} : memref<2x4x50x64xf32, #tpu.memory_space<vmem>>, vector<1x1x1x16xf32>,
        %add3A_690 = arith.constant 0 : i32
        %add3A_691 = arith.addi %add3A_690, %scan3A_501 : i32
        %get3A_692 = arith.constant 0 : i32
        %get3A_693 = arith.constant 1 : i32
        %get3A_694 = arith.index_cast %get3A_692 : i32 to index
        %get3A_695 = arith.index_cast %get3A_693 : i32 to index
        %get3A_696 = arith.index_cast %add3A_691 : i32 to index
        %get3A_697 = arith.constant 32 : index
        %get3A_698 = tpu.vector_load %arg6[%get3A_694, %get3A_695, %get3A_696, %get3A_697] {strides = array<i32>} : memref<2x2x112x128xf32, #tpu.memory_space<vmem>>, vector<1x1x1x16xf32>,
        %get3A_699 = vector.shape_cast %get3A_698 : vector<1x1x1x16xf32> to vector<16xf32>
        %swap3A_700 = arith.constant 0 : i32
        %swap3A_701 = arith.constant 2 : i32
        %swap3A_702 = arith.index_cast %swap3A_700 : i32 to index
        %swap3A_703 = arith.index_cast %swap3A_701 : i32 to index
        %swap3A_704 = arith.index_cast %scan3A_501 : i32 to index
        %swap3A_705 = arith.constant 32 : index
        %swap3A_706 = tpu.vector_load %arg7[%swap3A_702, %swap3A_703, %swap3A_704, %swap3A_705] {strides = array<i32>} : memref<2x4x50x64xf32, #tpu.memory_space<vmem>>, vector<1x1x1x16xf32>,
        %swap3A_707 = vector.shape_cast %swap3A_706 : vector<1x1x1x16xf32> to vector<16xf32>
        %swap3A_708 = vector.shape_cast %get3A_699 : vector<16xf32> to vector<1x1x1x16xf32>
        tpu.vector_store %arg7[%swap3A_702, %swap3A_703, %swap3A_704, %swap3A_705], %swap3A_708 {strides = array<i32>} : memref<2x4x50x64xf32, #tpu.memory_space<vmem>>, vector<1x1x1x16xf32>,
        %add3A_709 = arith.constant 0 : i32
        %add3A_710 = arith.addi %add3A_709, %scan3A_501 : i32
        %get3A_711 = arith.constant 0 : i32
        %get3A_712 = arith.constant 1 : i32
        %get3A_713 = arith.index_cast %get3A_711 : i32 to index
        %get3A_714 = arith.index_cast %get3A_712 : i32 to index
        %get3A_715 = arith.index_cast %add3A_710 : i32 to index
        %get3A_716 = arith.constant 48 : index
        %get3A_717 = tpu.vector_load %arg6[%get3A_713, %get3A_714, %get3A_715, %get3A_716] {strides = array<i32>} : memref<2x2x112x128xf32, #tpu.memory_space<vmem>>, vector<1x1x1x16xf32>,
        %get3A_718 = vector.shape_cast %get3A_717 : vector<1x1x1x16xf32> to vector<16xf32>
        %swap3A_719 = arith.constant 0 : i32
        %swap3A_720 = arith.constant 2 : i32
        %swap3A_721 = arith.index_cast %swap3A_719 : i32 to index
        %swap3A_722 = arith.index_cast %swap3A_720 : i32 to index
        %swap3A_723 = arith.index_cast %scan3A_501 : i32 to index
        %swap3A_724 = arith.constant 48 : index
        %swap3A_725 = tpu.vector_load %arg7[%swap3A_721, %swap3A_722, %swap3A_723, %swap3A_724] {strides = array<i32>} : memref<2x4x50x64xf32, #tpu.memory_space<vmem>>, vector<1x1x1x16xf32>,
        %swap3A_726 = vector.shape_cast %swap3A_725 : vector<1x1x1x16xf32> to vector<16xf32>
        %swap3A_727 = vector.shape_cast %get3A_718 : vector<16xf32> to vector<1x1x1x16xf32>
        tpu.vector_store %arg7[%swap3A_721, %swap3A_722, %swap3A_723, %swap3A_724], %swap3A_727 {strides = array<i32>} : memref<2x4x50x64xf32, #tpu.memory_space<vmem>>, vector<1x1x1x16xf32>,
        %add3A_728 = arith.constant 56 : i32
        %add3A_729 = arith.addi %add3A_728, %scan3A_501 : i32
        %get3A_730 = arith.constant 0 : i32
        %get3A_731 = arith.constant 1 : i32
        %get3A_732 = arith.index_cast %get3A_730 : i32 to index
        %get3A_733 = arith.index_cast %get3A_731 : i32 to index
        %get3A_734 = arith.index_cast %add3A_729 : i32 to index
        %get3A_735 = arith.constant 0 : index
        %get3A_736 = tpu.vector_load %arg6[%get3A_732, %get3A_733, %get3A_734, %get3A_735] {strides = array<i32>} : memref<2x2x112x128xf32, #tpu.memory_space<vmem>>, vector<1x1x1x16xf32>,
        %get3A_737 = vector.shape_cast %get3A_736 : vector<1x1x1x16xf32> to vector<16xf32>
        %swap3A_738 = arith.constant 0 : i32
        %swap3A_739 = arith.constant 3 : i32
        %swap3A_740 = arith.index_cast %swap3A_738 : i32 to index
        %swap3A_741 = arith.index_cast %swap3A_739 : i32 to index
        %swap3A_742 = arith.index_cast %scan3A_501 : i32 to index
        %swap3A_743 = arith.constant 0 : index
        %swap3A_744 = tpu.vector_load %arg7[%swap3A_740, %swap3A_741, %swap3A_742, %swap3A_743] {strides = array<i32>} : memref<2x4x50x64xf32, #tpu.memory_space<vmem>>, vector<1x1x1x16xf32>,
        %swap3A_745 = vector.shape_cast %swap3A_744 : vector<1x1x1x16xf32> to vector<16xf32>
        %swap3A_746 = vector.shape_cast %get3A_737 : vector<16xf32> to vector<1x1x1x16xf32>
        tpu.vector_store %arg7[%swap3A_740, %swap3A_741, %swap3A_742, %swap3A_743], %swap3A_746 {strides = array<i32>} : memref<2x4x50x64xf32, #tpu.memory_space<vmem>>, vector<1x1x1x16xf32>,
        %add3A_747 = arith.constant 56 : i32
        %add3A_748 = arith.addi %add3A_747, %scan3A_501 : i32
        %get3A_749 = arith.constant 0 : i32
        %get3A_750 = arith.constant 1 : i32
        %get3A_751 = arith.index_cast %get3A_749 : i32 to index
        %get3A_752 = arith.index_cast %get3A_750 : i32 to index
        %get3A_753 = arith.index_cast %add3A_748 : i32 to index
        %get3A_754 = arith.constant 16 : index
        %get3A_755 = tpu.vector_load %arg6[%get3A_751, %get3A_752, %get3A_753, %get3A_754] {strides = array<i32>} : memref<2x2x112x128xf32, #tpu.memory_space<vmem>>, vector<1x1x1x16xf32>,
        %get3A_756 = vector.shape_cast %get3A_755 : vector<1x1x1x16xf32> to vector<16xf32>
        %swap3A_757 = arith.constant 0 : i32
        %swap3A_758 = arith.constant 3 : i32
        %swap3A_759 = arith.index_cast %swap3A_757 : i32 to index
        %swap3A_760 = arith.index_cast %swap3A_758 : i32 to index
        %swap3A_761 = arith.index_cast %scan3A_501 : i32 to index
        %swap3A_762 = arith.constant 16 : index
        %swap3A_763 = tpu.vector_load %arg7[%swap3A_759, %swap3A_760, %swap3A_761, %swap3A_762] {strides = array<i32>} : memref<2x4x50x64xf32, #tpu.memory_space<vmem>>, vector<1x1x1x16xf32>,
        %swap3A_764 = vector.shape_cast %swap3A_763 : vector<1x1x1x16xf32> to vector<16xf32>
        %swap3A_765 = vector.shape_cast %get3A_756 : vector<16xf32> to vector<1x1x1x16xf32>
        tpu.vector_store %arg7[%swap3A_759, %swap3A_760, %swap3A_761, %swap3A_762], %swap3A_765 {strides = array<i32>} : memref<2x4x50x64xf32, #tpu.memory_space<vmem>>, vector<1x1x1x16xf32>,
        %add3A_766 = arith.constant 56 : i32
        %add3A_767 = arith.addi %add3A_766, %scan3A_501 : i32
        %get3A_768 = arith.constant 0 : i32
        %get3A_769 = arith.constant 1 : i32
        %get3A_770 = arith.index_cast %get3A_768 : i32 to index
        %get3A_771 = arith.index_cast %get3A_769 : i32 to index
        %get3A_772 = arith.index_cast %add3A_767 : i32 to index
        %get3A_773 = arith.constant 32 : index
        %get3A_774 = tpu.vector_load %arg6[%get3A_770, %get3A_771, %get3A_772, %get3A_773] {strides = array<i32>} : memref<2x2x112x128xf32, #tpu.memory_space<vmem>>, vector<1x1x1x16xf32>,
        %get3A_775 = vector.shape_cast %get3A_774 : vector<1x1x1x16xf32> to vector<16xf32>
        %swap3A_776 = arith.constant 0 : i32
        %swap3A_777 = arith.constant 3 : i32
        %swap3A_778 = arith.index_cast %swap3A_776 : i32 to index
        %swap3A_779 = arith.index_cast %swap3A_777 : i32 to index
        %swap3A_780 = arith.index_cast %scan3A_501 : i32 to index
        %swap3A_781 = arith.constant 32 : index
        %swap3A_782 = tpu.vector_load %arg7[%swap3A_778, %swap3A_779, %swap3A_780, %swap3A_781] {strides = array<i32>} : memref<2x4x50x64xf32, #tpu.memory_space<vmem>>, vector<1x1x1x16xf32>,
        %swap3A_783 = vector.shape_cast %swap3A_782 : vector<1x1x1x16xf32> to vector<16xf32>
        %swap3A_784 = vector.shape_cast %get3A_775 : vector<16xf32> to vector<1x1x1x16xf32>
        tpu.vector_store %arg7[%swap3A_778, %swap3A_779, %swap3A_780, %swap3A_781], %swap3A_784 {strides = array<i32>} : memref<2x4x50x64xf32, #tpu.memory_space<vmem>>, vector<1x1x1x16xf32>,
        %add3A_785 = arith.constant 56 : i32
        %add3A_786 = arith.addi %add3A_785, %scan3A_501 : i32
        %get3A_787 = arith.constant 0 : i32
        %get3A_788 = arith.constant 1 : i32
        %get3A_789 = arith.index_cast %get3A_787 : i32 to index
        %get3A_790 = arith.index_cast %get3A_788 : i32 to index
        %get3A_791 = arith.index_cast %add3A_786 : i32 to index
        %get3A_792 = arith.constant 48 : index
        %get3A_793 = tpu.vector_load %arg6[%get3A_789, %get3A_790, %get3A_791, %get3A_792] {strides = array<i32>} : memref<2x2x112x128xf32, #tpu.memory_space<vmem>>, vector<1x1x1x16xf32>,
        %get3A_794 = vector.shape_cast %get3A_793 : vector<1x1x1x16xf32> to vector<16xf32>
        %swap3A_795 = arith.constant 0 : i32
        %swap3A_796 = arith.constant 3 : i32
        %swap3A_797 = arith.index_cast %swap3A_795 : i32 to index
        %swap3A_798 = arith.index_cast %swap3A_796 : i32 to index
        %swap3A_799 = arith.index_cast %scan3A_501 : i32 to index
        %swap3A_800 = arith.constant 48 : index
        %swap3A_801 = tpu.vector_load %arg7[%swap3A_797, %swap3A_798, %swap3A_799, %swap3A_800] {strides = array<i32>} : memref<2x4x50x64xf32, #tpu.memory_space<vmem>>, vector<1x1x1x16xf32>,
        %swap3A_802 = vector.shape_cast %swap3A_801 : vector<1x1x1x16xf32> to vector<16xf32>
        %swap3A_803 = vector.shape_cast %get3A_794 : vector<16xf32> to vector<1x1x1x16xf32>
        tpu.vector_store %arg7[%swap3A_797, %swap3A_798, %swap3A_799, %swap3A_800], %swap3A_803 {strides = array<i32>} : memref<2x4x50x64xf32, #tpu.memory_space<vmem>>, vector<1x1x1x16xf32>,
      }
      %scan3A_276 = arith.constant 50 : i32
      %mul3A_277 = arith.constant 4 : i32
      %mul3A_278 = arith.muli %add3A_228, %mul3A_277 : i32
      %add3A_279 = arith.addi %mul3A_2, %mul3A_278 : i32
      %dma_start3A_280 = arith.constant 0 : i32
      %dma_start3A_281 = arith.constant 0 : i32
      %dma_start3A_282 = arith.constant 0 : i32
      %dma_start3A_283 = arith.constant 0 : i32
      %dma_start3A_284 = tpu.memref_slice %arg7[%dma_start3A_280, %dma_start3A_281, %dma_start3A_282, %dma_start3A_283] : memref<2x4x50x64xf32, #tpu.memory_space<vmem>> -> memref<1x4x50x64xf32, #tpu.memory_space<vmem>>
      %dma_start3A_285 = tpu.memref_squeeze %dma_start3A_284 : memref<1x4x50x64xf32, #tpu.memory_space<vmem>> -> memref<4x50x64xf32, #tpu.memory_space<vmem>>
      %dma_start3A_286 = arith.constant 0 : i32
      %dma_start3A_287 = arith.constant 0 : i32
      %dma_start3A_288 = tpu.memref_slice %arg4[%add3A_279, %dma_start3A_286, %dma_start3A_287] : memref<4096x50x64xf32, #tpu.memory_space<hbm>> -> memref<4x50x64xf32, #tpu.memory_space<hbm>>
      %dma_start3A_289 = arith.constant 0 : i32
      %dma_start3A_290 = arith.constant 0 : i32
      %dma_start3A_291 = tpu.memref_slice %arg4[%add3A_279, %dma_start3A_289, %dma_start3A_290] : memref<4096x50x64xf32, #tpu.memory_space<hbm>> -> memref<4x50x64xf32, #tpu.memory_space<hbm>>
      %dma_start3A_292 = arith.constant 0 : i32
      %dma_start3A_293 = arith.constant 0 : i32
      %dma_start3A_294 = arith.constant 0 : i32
      %dma_start3A_295 = tpu.memref_slice %arg7[%dma_start3A_280, %dma_start3A_292, %dma_start3A_293, %dma_start3A_294] : memref<2x4x50x64xf32, #tpu.memory_space<vmem>> -> memref<1x4x50x64xf32, #tpu.memory_space<vmem>>
      %dma_start3A_296 = tpu.memref_squeeze %dma_start3A_295 : memref<1x4x50x64xf32, #tpu.memory_space<vmem>> -> memref<4x50x64xf32, #tpu.memory_space<vmem>>
      tpu.enqueue_dma source(%dma_start3A_296 : memref<4x50x64xf32, #tpu.memory_space<vmem>>) target(%dma_start3A_291 : memref<4x50x64xf32, #tpu.memory_space<hbm>>) target_semaphore(%arg10 : memref<!tpu.dma_semaphore, #tpu.memory_space<semaphore_mem>>)
      %mul3A_297 = arith.constant 4 : i32
      %mul3A_298 = arith.muli %add3A_228, %mul3A_297 : i32
      %add3A_299 = arith.addi %mul3A_2, %mul3A_298 : i32
      %dma_wait3A_300 = arith.constant 0 : i32
      %dma_wait3A_301 = arith.constant 0 : i32
      %dma_wait3A_302 = arith.constant 0 : i32
      %dma_wait3A_303 = arith.constant 0 : i32
      %dma_wait3A_304 = tpu.memref_slice %arg7[%dma_wait3A_300, %dma_wait3A_301, %dma_wait3A_302, %dma_wait3A_303] : memref<2x4x50x64xf32, #tpu.memory_space<vmem>> -> memref<1x4x50x64xf32, #tpu.memory_space<vmem>>
      %dma_wait3A_305 = tpu.memref_squeeze %dma_wait3A_304 : memref<1x4x50x64xf32, #tpu.memory_space<vmem>> -> memref<4x50x64xf32, #tpu.memory_space<vmem>>
      %dma_wait3A_306 = arith.constant 0 : i32
      %dma_wait3A_307 = arith.constant 0 : i32
      %dma_wait3A_308 = tpu.memref_slice %arg4[%add3A_299, %dma_wait3A_306, %dma_wait3A_307] : memref<4096x50x64xf32, #tpu.memory_space<hbm>> -> memref<4x50x64xf32, #tpu.memory_space<hbm>>
      %dma_wait3A_309 = arith.constant 0 : i32
      %dma_wait3A_310 = arith.constant 0 : i32
      %dma_wait3A_311 = tpu.memref_slice %arg4[%add3A_299, %dma_wait3A_309, %dma_wait3A_310] : memref<4096x50x64xf32, #tpu.memory_space<hbm>> -> memref<4x50x64xf32, #tpu.memory_space<hbm>>
      %dma_wait3A_312 = arith.constant 0 : i32
      %dma_wait3A_313 = arith.constant 0 : i32
      %dma_wait3A_314 = arith.constant 0 : i32
      %dma_wait3A_315 = tpu.memref_slice %arg7[%dma_wait3A_300, %dma_wait3A_312, %dma_wait3A_313, %dma_wait3A_314] : memref<2x4x50x64xf32, #tpu.memory_space<vmem>> -> memref<1x4x50x64xf32, #tpu.memory_space<vmem>>
      %dma_wait3A_316 = tpu.memref_squeeze %dma_wait3A_315 : memref<1x4x50x64xf32, #tpu.memory_space<vmem>> -> memref<4x50x64xf32, #tpu.memory_space<vmem>>
      tpu.wait_dma2 semaphore(%arg10 : memref<!tpu.dma_semaphore, #tpu.memory_space<semaphore_mem>>) src(%dma_wait3A_316 : memref<4x50x64xf32, #tpu.memory_space<vmem>>) dst(%dma_wait3A_311 : memref<4x50x64xf32, #tpu.memory_space<hbm>>)
      %add3A_317 = arith.constant 2 : i32
      %add3A_318 = arith.addi %add3A_228, %add3A_317 : i32
      %mul3A_319 = arith.constant 4 : i32
      %mul3A_320 = arith.muli %add3A_318, %mul3A_319 : i32
      %add3A_321 = arith.constant 0 : i32
      %add3A_322 = arith.addi %mul3A_320, %add3A_321 : i32
      %mul3A_323 = arith.constant 56 : i32
      %mul3A_324 = arith.muli %add3A_322, %mul3A_323 : i32
      %dma_start3A_325 = arith.constant 0 : i32
      %dma_start3A_326 = arith.constant 0 : i32
      %dma_start3A_327 = arith.constant 0 : i32
      %dma_start3A_328 = arith.constant 0 : i32
      %dma_start3A_329 = arith.constant 0 : i32
      %dma_start3A_330 = tpu.memref_slice %arg6[%dma_start3A_325, %dma_start3A_327, %dma_start3A_328, %dma_start3A_329] : memref<2x2x112x128xf32, #tpu.memory_space<vmem>> -> memref<1x2x112x128xf32, #tpu.memory_space<vmem>>
      %dma_start3A_331 = tpu.memref_squeeze %dma_start3A_330 : memref<1x2x112x128xf32, #tpu.memory_space<vmem>> -> memref<2x112x128xf32, #tpu.memory_space<vmem>>
      %dma_start3A_332 = arith.constant 0 : i32
      %dma_start3A_333 = arith.constant 0 : i32
      %dma_start3A_334 = tpu.memref_slice %dma_start3A_331[%dma_start3A_326, %dma_start3A_332, %dma_start3A_333] : memref<2x112x128xf32, #tpu.memory_space<vmem>> -> memref<1x112x128xf32, #tpu.memory_space<vmem>>
      %dma_start3A_335 = tpu.memref_squeeze %dma_start3A_334 : memref<1x112x128xf32, #tpu.memory_space<vmem>> -> memref<112x128xf32, #tpu.memory_space<vmem>>
      %dma_start3A_336 = tpu.memref_slice %arg5[%mul3A_324] : memref<7168xi32, #tpu.memory_space<vmem>> -> memref<112xi32, #tpu.memory_space<vmem>>
      %dma_start3A_337 = arith.constant 0 : i32
      %dma_start3A_338 = arith.constant 0 : i32
      %dma_start3A_339 = tpu.memref_slice %arg2[%dma_start3A_337, %dma_start3A_338] : memref<100001x128xf32, #tpu.memory_space<hbm>> -> memref<100001x128xf32, #tpu.memory_space<hbm>>
      tpu.enqueue_indirect_dma source(%dma_start3A_339 : memref<100001x128xf32, #tpu.memory_space<hbm>>) target(%dma_start3A_335 : memref<112x128xf32, #tpu.memory_space<vmem>>) offsets(%dma_start3A_336 : memref<112xi32, #tpu.memory_space<vmem>>) semaphore(%arg8 : memref<!tpu.dma_semaphore, #tpu.memory_space<semaphore_mem>>)
      %add3A_340 = arith.constant 2 : i32
      %add3A_341 = arith.addi %add3A_228, %add3A_340 : i32
      %mul3A_342 = arith.constant 4 : i32
      %mul3A_343 = arith.muli %add3A_341, %mul3A_342 : i32
      %add3A_344 = arith.constant 2 : i32
      %add3A_345 = arith.addi %mul3A_343, %add3A_344 : i32
      %mul3A_346 = arith.constant 56 : i32
      %mul3A_347 = arith.muli %add3A_345, %mul3A_346 : i32
      %dma_start3A_348 = arith.constant 0 : i32
      %dma_start3A_349 = arith.constant 1 : i32
      %dma_start3A_350 = arith.constant 0 : i32
      %dma_start3A_351 = arith.constant 0 : i32
      %dma_start3A_352 = arith.constant 0 : i32
      %dma_start3A_353 = tpu.memref_slice %arg6[%dma_start3A_348, %dma_start3A_350, %dma_start3A_351, %dma_start3A_352] : memref<2x2x112x128xf32, #tpu.memory_space<vmem>> -> memref<1x2x112x128xf32, #tpu.memory_space<vmem>>
      %dma_start3A_354 = tpu.memref_squeeze %dma_start3A_353 : memref<1x2x112x128xf32, #tpu.memory_space<vmem>> -> memref<2x112x128xf32, #tpu.memory_space<vmem>>
      %dma_start3A_355 = arith.constant 0 : i32
      %dma_start3A_356 = arith.constant 0 : i32
      %dma_start3A_357 = tpu.memref_slice %dma_start3A_354[%dma_start3A_349, %dma_start3A_355, %dma_start3A_356] : memref<2x112x128xf32, #tpu.memory_space<vmem>> -> memref<1x112x128xf32, #tpu.memory_space<vmem>>
      %dma_start3A_358 = tpu.memref_squeeze %dma_start3A_357 : memref<1x112x128xf32, #tpu.memory_space<vmem>> -> memref<112x128xf32, #tpu.memory_space<vmem>>
      %dma_start3A_359 = tpu.memref_slice %arg5[%mul3A_347] : memref<7168xi32, #tpu.memory_space<vmem>> -> memref<112xi32, #tpu.memory_space<vmem>>
      %dma_start3A_360 = arith.constant 0 : i32
      %dma_start3A_361 = arith.constant 0 : i32
      %dma_start3A_362 = tpu.memref_slice %arg2[%dma_start3A_360, %dma_start3A_361] : memref<100001x128xf32, #tpu.memory_space<hbm>> -> memref<100001x128xf32, #tpu.memory_space<hbm>>
      tpu.enqueue_indirect_dma source(%dma_start3A_362 : memref<100001x128xf32, #tpu.memory_space<hbm>>) target(%dma_start3A_358 : memref<112x128xf32, #tpu.memory_space<vmem>>) offsets(%dma_start3A_359 : memref<112xi32, #tpu.memory_space<vmem>>) semaphore(%arg8 : memref<!tpu.dma_semaphore, #tpu.memory_space<semaphore_mem>>)
      %mul3A_363 = arith.constant 2 : i32
      %mul3A_364 = arith.muli %scan3A_224, %mul3A_363 : i32
      %add3A_365 = arith.constant 1 : i32
      %add3A_366 = arith.addi %mul3A_364, %add3A_365 : i32
      %mul3A_367 = arith.constant 4 : i32
      %mul3A_368 = arith.muli %add3A_366, %mul3A_367 : i32
      %add3A_369 = arith.constant 0 : i32
      %add3A_370 = arith.addi %mul3A_368, %add3A_369 : i32
      %mul3A_371 = arith.constant 56 : i32
      %mul3A_372 = arith.muli %add3A_370, %mul3A_371 : i32
      %dma_wait3A_373 = arith.constant 1 : i32
      %dma_wait3A_374 = arith.constant 0 : i32
      %dma_wait3A_375 = arith.constant 0 : i32
      %dma_wait3A_376 = arith.constant 0 : i32
      %dma_wait3A_377 = arith.constant 0 : i32
      %dma_wait3A_378 = tpu.memref_slice %arg6[%dma_wait3A_373, %dma_wait3A_375, %dma_wait3A_376, %dma_wait3A_377] : memref<2x2x112x128xf32, #tpu.memory_space<vmem>> -> memref<1x2x112x128xf32, #tpu.memory_space<vmem>>
      %dma_wait3A_379 = tpu.memref_squeeze %dma_wait3A_378 : memref<1x2x112x128xf32, #tpu.memory_space<vmem>> -> memref<2x112x128xf32, #tpu.memory_space<vmem>>
      %dma_wait3A_380 = arith.constant 0 : i32
      %dma_wait3A_381 = arith.constant 0 : i32
      %dma_wait3A_382 = tpu.memref_slice %dma_wait3A_379[%dma_wait3A_374, %dma_wait3A_380, %dma_wait3A_381] : memref<2x112x128xf32, #tpu.memory_space<vmem>> -> memref<1x112x128xf32, #tpu.memory_space<vmem>>
      %dma_wait3A_383 = tpu.memref_squeeze %dma_wait3A_382 : memref<1x112x128xf32, #tpu.memory_space<vmem>> -> memref<112x128xf32, #tpu.memory_space<vmem>>
      %dma_wait3A_384 = tpu.memref_slice %arg5[%mul3A_372] : memref<7168xi32, #tpu.memory_space<vmem>> -> memref<112xi32, #tpu.memory_space<vmem>>
      %dma_wait3A_385 = arith.constant 0 : i32
      %dma_wait3A_386 = arith.constant 0 : i32
      %dma_wait3A_387 = tpu.memref_slice %arg2[%dma_wait3A_385, %dma_wait3A_386] : memref<100001x128xf32, #tpu.memory_space<hbm>> -> memref<100001x128xf32, #tpu.memory_space<hbm>>
      tpu.wait_indirect_dma semaphore(%arg9 : memref<!tpu.dma_semaphore, #tpu.memory_space<semaphore_mem>>) src(%dma_wait3A_387 : memref<100001x128xf32, #tpu.memory_space<hbm>>) dst(%dma_wait3A_383 : memref<112x128xf32, #tpu.memory_space<vmem>>)
      %mul3A_388 = arith.constant 4 : i32
      %mul3A_389 = arith.muli %add3A_366, %mul3A_388 : i32
      %add3A_390 = arith.constant 2 : i32
      %add3A_391 = arith.addi %mul3A_389, %add3A_390 : i32
      %mul3A_392 = arith.constant 56 : i32
      %mul3A_393 = arith.muli %add3A_391, %mul3A_392 : i32
      %dma_wait3A_394 = arith.constant 1 : i32
      %dma_wait3A_395 = arith.constant 1 : i32
      %dma_wait3A_396 = arith.constant 0 : i32
      %dma_wait3A_397 = arith.constant 0 : i32
      %dma_wait3A_398 = arith.constant 0 : i32
      %dma_wait3A_399 = tpu.memref_slice %arg6[%dma_wait3A_394, %dma_wait3A_396, %dma_wait3A_397, %dma_wait3A_398] : memref<2x2x112x128xf32, #tpu.memory_space<vmem>> -> memref<1x2x112x128xf32, #tpu.memory_space<vmem>>
      %dma_wait3A_400 = tpu.memref_squeeze %dma_wait3A_399 : memref<1x2x112x128xf32, #tpu.memory_space<vmem>> -> memref<2x112x128xf32, #tpu.memory_space<vmem>>
      %dma_wait3A_401 = arith.constant 0 : i32
      %dma_wait3A_402 = arith.constant 0 : i32
      %dma_wait3A_403 = tpu.memref_slice %dma_wait3A_400[%dma_wait3A_395, %dma_wait3A_401, %dma_wait3A_402] : memref<2x112x128xf32, #tpu.memory_space<vmem>> -> memref<1x112x128xf32, #tpu.memory_space<vmem>>
      %dma_wait3A_404 = tpu.memref_squeeze %dma_wait3A_403 : memref<1x112x128xf32, #tpu.memory_space<vmem>> -> memref<112x128xf32, #tpu.memory_space<vmem>>
      %dma_wait3A_405 = tpu.memref_slice %arg5[%mul3A_393] : memref<7168xi32, #tpu.memory_space<vmem>> -> memref<112xi32, #tpu.memory_space<vmem>>
      %dma_wait3A_406 = arith.constant 0 : i32
      %dma_wait3A_407 = arith.constant 0 : i32
      %dma_wait3A_408 = tpu.memref_slice %arg2[%dma_wait3A_406, %dma_wait3A_407] : memref<100001x128xf32, #tpu.memory_space<hbm>> -> memref<100001x128xf32, #tpu.memory_space<hbm>>
      tpu.wait_indirect_dma semaphore(%arg9 : memref<!tpu.dma_semaphore, #tpu.memory_space<semaphore_mem>>) src(%dma_wait3A_408 : memref<100001x128xf32, #tpu.memory_space<hbm>>) dst(%dma_wait3A_404 : memref<112x128xf32, #tpu.memory_space<vmem>>)
      %scan3A_409 = arith.constant 0 : i32
      %scan3A_410 = arith.constant 0 : i32
      %scan3A_411 = arith.constant 50 : i32
      %scan3A_412 = arith.addi %scan3A_410, %scan3A_411 : i32
      %scan3A_413 = arith.constant 1 : i32
      scf.for %scan3A_501 = %scan3A_410 to %scan3A_412 step %scan3A_413  : i32 {
        %add3A_502 = arith.constant 0 : i32
        %add3A_503 = arith.addi %add3A_502, %scan3A_501 : i32
        %get3A = arith.constant 1 : i32
        %get3A_504 = arith.constant 0 : i32
        %get3A_505 = arith.index_cast %get3A : i32 to index
        %get3A_506 = arith.index_cast %get3A_504 : i32 to index
        %get3A_507 = arith.index_cast %add3A_503 : i32 to index
        %get3A_508 = arith.constant 0 : index
        %get3A_509 = tpu.vector_load %arg6[%get3A_505, %get3A_506, %get3A_507, %get3A_508] {strides = array<i32>} : memref<2x2x112x128xf32, #tpu.memory_space<vmem>>, vector<1x1x1x16xf32>,
        %get3A_510 = vector.shape_cast %get3A_509 : vector<1x1x1x16xf32> to vector<16xf32>
        %swap3A = arith.constant 1 : i32
        %swap3A_511 = arith.constant 0 : i32
        %swap3A_512 = arith.index_cast %swap3A : i32 to index
        %swap3A_513 = arith.index_cast %swap3A_511 : i32 to index
        %swap3A_514 = arith.index_cast %scan3A_501 : i32 to index
        %swap3A_515 = arith.constant 0 : index
        %swap3A_516 = tpu.vector_load %arg7[%swap3A_512, %swap3A_513, %swap3A_514, %swap3A_515] {strides = array<i32>} : memref<2x4x50x64xf32, #tpu.memory_space<vmem>>, vector<1x1x1x16xf32>,
        %swap3A_517 = vector.shape_cast %swap3A_516 : vector<1x1x1x16xf32> to vector<16xf32>
        %swap3A_518 = vector.shape_cast %get3A_510 : vector<16xf32> to vector<1x1x1x16xf32>
        tpu.vector_store %arg7[%swap3A_512, %swap3A_513, %swap3A_514, %swap3A_515], %swap3A_518 {strides = array<i32>} : memref<2x4x50x64xf32, #tpu.memory_space<vmem>>, vector<1x1x1x16xf32>,
        %add3A_519 = arith.constant 0 : i32
        %add3A_520 = arith.addi %add3A_519, %scan3A_501 : i32
        %get3A_521 = arith.constant 1 : i32
        %get3A_522 = arith.constant 0 : i32
        %get3A_523 = arith.index_cast %get3A_521 : i32 to index
        %get3A_524 = arith.index_cast %get3A_522 : i32 to index
        %get3A_525 = arith.index_cast %add3A_520 : i32 to index
        %get3A_526 = arith.constant 16 : index
        %get3A_527 = tpu.vector_load %arg6[%get3A_523, %get3A_524, %get3A_525, %get3A_526] {strides = array<i32>} : memref<2x2x112x128xf32, #tpu.memory_space<vmem>>, vector<1x1x1x16xf32>,
        %get3A_528 = vector.shape_cast %get3A_527 : vector<1x1x1x16xf32> to vector<16xf32>
        %swap3A_529 = arith.constant 1 : i32
        %swap3A_530 = arith.constant 0 : i32
        %swap3A_531 = arith.index_cast %swap3A_529 : i32 to index
        %swap3A_532 = arith.index_cast %swap3A_530 : i32 to index
        %swap3A_533 = arith.index_cast %scan3A_501 : i32 to index
        %swap3A_534 = arith.constant 16 : index
        %swap3A_535 = tpu.vector_load %arg7[%swap3A_531, %swap3A_532, %swap3A_533, %swap3A_534] {strides = array<i32>} : memref<2x4x50x64xf32, #tpu.memory_space<vmem>>, vector<1x1x1x16xf32>,
        %swap3A_536 = vector.shape_cast %swap3A_535 : vector<1x1x1x16xf32> to vector<16xf32>
        %swap3A_537 = vector.shape_cast %get3A_528 : vector<16xf32> to vector<1x1x1x16xf32>
        tpu.vector_store %arg7[%swap3A_531, %swap3A_532, %swap3A_533, %swap3A_534], %swap3A_537 {strides = array<i32>} : memref<2x4x50x64xf32, #tpu.memory_space<vmem>>, vector<1x1x1x16xf32>,
        %add3A_538 = arith.constant 0 : i32
        %add3A_539 = arith.addi %add3A_538, %scan3A_501 : i32
        %get3A_540 = arith.constant 1 : i32
        %get3A_541 = arith.constant 0 : i32
        %get3A_542 = arith.index_cast %get3A_540 : i32 to index
        %get3A_543 = arith.index_cast %get3A_541 : i32 to index
        %get3A_544 = arith.index_cast %add3A_539 : i32 to index
        %get3A_545 = arith.constant 32 : index
        %get3A_546 = tpu.vector_load %arg6[%get3A_542, %get3A_543, %get3A_544, %get3A_545] {strides = array<i32>} : memref<2x2x112x128xf32, #tpu.memory_space<vmem>>, vector<1x1x1x16xf32>,
        %get3A_547 = vector.shape_cast %get3A_546 : vector<1x1x1x16xf32> to vector<16xf32>
        %swap3A_548 = arith.constant 1 : i32
        %swap3A_549 = arith.constant 0 : i32
        %swap3A_550 = arith.index_cast %swap3A_548 : i32 to index
        %swap3A_551 = arith.index_cast %swap3A_549 : i32 to index
        %swap3A_552 = arith.index_cast %scan3A_501 : i32 to index
        %swap3A_553 = arith.constant 32 : index
        %swap3A_554 = tpu.vector_load %arg7[%swap3A_550, %swap3A_551, %swap3A_552, %swap3A_553] {strides = array<i32>} : memref<2x4x50x64xf32, #tpu.memory_space<vmem>>, vector<1x1x1x16xf32>,
        %swap3A_555 = vector.shape_cast %swap3A_554 : vector<1x1x1x16xf32> to vector<16xf32>
        %swap3A_556 = vector.shape_cast %get3A_547 : vector<16xf32> to vector<1x1x1x16xf32>
        tpu.vector_store %arg7[%swap3A_550, %swap3A_551, %swap3A_552, %swap3A_553], %swap3A_556 {strides = array<i32>} : memref<2x4x50x64xf32, #tpu.memory_space<vmem>>, vector<1x1x1x16xf32>,
        %add3A_557 = arith.constant 0 : i32
        %add3A_558 = arith.addi %add3A_557, %scan3A_501 : i32
        %get3A_559 = arith.constant 1 : i32
        %get3A_560 = arith.constant 0 : i32
        %get3A_561 = arith.index_cast %get3A_559 : i32 to index
        %get3A_562 = arith.index_cast %get3A_560 : i32 to index
        %get3A_563 = arith.index_cast %add3A_558 : i32 to index
        %get3A_564 = arith.constant 48 : index
        %get3A_565 = tpu.vector_load %arg6[%get3A_561, %get3A_562, %get3A_563, %get3A_564] {strides = array<i32>} : memref<2x2x112x128xf32, #tpu.memory_space<vmem>>, vector<1x1x1x16xf32>,
        %get3A_566 = vector.shape_cast %get3A_565 : vector<1x1x1x16xf32> to vector<16xf32>
        %swap3A_567 = arith.constant 1 : i32
        %swap3A_568 = arith.constant 0 : i32
        %swap3A_569 = arith.index_cast %swap3A_567 : i32 to index
        %swap3A_570 = arith.index_cast %swap3A_568 : i32 to index
        %swap3A_571 = arith.index_cast %scan3A_501 : i32 to index
        %swap3A_572 = arith.constant 48 : index
        %swap3A_573 = tpu.vector_load %arg7[%swap3A_569, %swap3A_570, %swap3A_571, %swap3A_572] {strides = array<i32>} : memref<2x4x50x64xf32, #tpu.memory_space<vmem>>, vector<1x1x1x16xf32>,
        %swap3A_574 = vector.shape_cast %swap3A_573 : vector<1x1x1x16xf32> to vector<16xf32>
        %swap3A_575 = vector.shape_cast %get3A_566 : vector<16xf32> to vector<1x1x1x16xf32>
        tpu.vector_store %arg7[%swap3A_569, %swap3A_570, %swap3A_571, %swap3A_572], %swap3A_575 {strides = array<i32>} : memref<2x4x50x64xf32, #tpu.memory_space<vmem>>, vector<1x1x1x16xf32>,
        %add3A_576 = arith.constant 56 : i32
        %add3A_577 = arith.addi %add3A_576, %scan3A_501 : i32
        %get3A_578 = arith.constant 1 : i32
        %get3A_579 = arith.constant 0 : i32
        %get3A_580 = arith.index_cast %get3A_578 : i32 to index
        %get3A_581 = arith.index_cast %get3A_579 : i32 to index
        %get3A_582 = arith.index_cast %add3A_577 : i32 to index
        %get3A_583 = arith.constant 0 : index
        %get3A_584 = tpu.vector_load %arg6[%get3A_580, %get3A_581, %get3A_582, %get3A_583] {strides = array<i32>} : memref<2x2x112x128xf32, #tpu.memory_space<vmem>>, vector<1x1x1x16xf32>,
        %get3A_585 = vector.shape_cast %get3A_584 : vector<1x1x1x16xf32> to vector<16xf32>
        %swap3A_586 = arith.constant 1 : i32
        %swap3A_587 = arith.constant 1 : i32
        %swap3A_588 = arith.index_cast %swap3A_586 : i32 to index
        %swap3A_589 = arith.index_cast %swap3A_587 : i32 to index
        %swap3A_590 = arith.index_cast %scan3A_501 : i32 to index
        %swap3A_591 = arith.constant 0 : index
        %swap3A_592 = tpu.vector_load %arg7[%swap3A_588, %swap3A_589, %swap3A_590, %swap3A_591] {strides = array<i32>} : memref<2x4x50x64xf32, #tpu.memory_space<vmem>>, vector<1x1x1x16xf32>,
        %swap3A_593 = vector.shape_cast %swap3A_592 : vector<1x1x1x16xf32> to vector<16xf32>
        %swap3A_594 = vector.shape_cast %get3A_585 : vector<16xf32> to vector<1x1x1x16xf32>
        tpu.vector_store %arg7[%swap3A_588, %swap3A_589, %swap3A_590, %swap3A_591], %swap3A_594 {strides = array<i32>} : memref<2x4x50x64xf32, #tpu.memory_space<vmem>>, vector<1x1x1x16xf32>,
        %add3A_595 = arith.constant 56 : i32
        %add3A_596 = arith.addi %add3A_595, %scan3A_501 : i32
        %get3A_597 = arith.constant 1 : i32
        %get3A_598 = arith.constant 0 : i32
        %get3A_599 = arith.index_cast %get3A_597 : i32 to index
        %get3A_600 = arith.index_cast %get3A_598 : i32 to index
        %get3A_601 = arith.index_cast %add3A_596 : i32 to index
        %get3A_602 = arith.constant 16 : index
        %get3A_603 = tpu.vector_load %arg6[%get3A_599, %get3A_600, %get3A_601, %get3A_602] {strides = array<i32>} : memref<2x2x112x128xf32, #tpu.memory_space<vmem>>, vector<1x1x1x16xf32>,
        %get3A_604 = vector.shape_cast %get3A_603 : vector<1x1x1x16xf32> to vector<16xf32>
        %swap3A_605 = arith.constant 1 : i32
        %swap3A_606 = arith.constant 1 : i32
        %swap3A_607 = arith.index_cast %swap3A_605 : i32 to index
        %swap3A_608 = arith.index_cast %swap3A_606 : i32 to index
        %swap3A_609 = arith.index_cast %scan3A_501 : i32 to index
        %swap3A_610 = arith.constant 16 : index
        %swap3A_611 = tpu.vector_load %arg7[%swap3A_607, %swap3A_608, %swap3A_609, %swap3A_610] {strides = array<i32>} : memref<2x4x50x64xf32, #tpu.memory_space<vmem>>, vector<1x1x1x16xf32>,
        %swap3A_612 = vector.shape_cast %swap3A_611 : vector<1x1x1x16xf32> to vector<16xf32>
        %swap3A_613 = vector.shape_cast %get3A_604 : vector<16xf32> to vector<1x1x1x16xf32>
        tpu.vector_store %arg7[%swap3A_607, %swap3A_608, %swap3A_609, %swap3A_610], %swap3A_613 {strides = array<i32>} : memref<2x4x50x64xf32, #tpu.memory_space<vmem>>, vector<1x1x1x16xf32>,
        %add3A_614 = arith.constant 56 : i32
        %add3A_615 = arith.addi %add3A_614, %scan3A_501 : i32
        %get3A_616 = arith.constant 1 : i32
        %get3A_617 = arith.constant 0 : i32
        %get3A_618 = arith.index_cast %get3A_616 : i32 to index
        %get3A_619 = arith.index_cast %get3A_617 : i32 to index
        %get3A_620 = arith.index_cast %add3A_615 : i32 to index
        %get3A_621 = arith.constant 32 : index
        %get3A_622 = tpu.vector_load %arg6[%get3A_618, %get3A_619, %get3A_620, %get3A_621] {strides = array<i32>} : memref<2x2x112x128xf32, #tpu.memory_space<vmem>>, vector<1x1x1x16xf32>,
        %get3A_623 = vector.shape_cast %get3A_622 : vector<1x1x1x16xf32> to vector<16xf32>
        %swap3A_624 = arith.constant 1 : i32
        %swap3A_625 = arith.constant 1 : i32
        %swap3A_626 = arith.index_cast %swap3A_624 : i32 to index
        %swap3A_627 = arith.index_cast %swap3A_625 : i32 to index
        %swap3A_628 = arith.index_cast %scan3A_501 : i32 to index
        %swap3A_629 = arith.constant 32 : index
        %swap3A_630 = tpu.vector_load %arg7[%swap3A_626, %swap3A_627, %swap3A_628, %swap3A_629] {strides = array<i32>} : memref<2x4x50x64xf32, #tpu.memory_space<vmem>>, vector<1x1x1x16xf32>,
        %swap3A_631 = vector.shape_cast %swap3A_630 : vector<1x1x1x16xf32> to vector<16xf32>
        %swap3A_632 = vector.shape_cast %get3A_623 : vector<16xf32> to vector<1x1x1x16xf32>
        tpu.vector_store %arg7[%swap3A_626, %swap3A_627, %swap3A_628, %swap3A_629], %swap3A_632 {strides = array<i32>} : memref<2x4x50x64xf32, #tpu.memory_space<vmem>>, vector<1x1x1x16xf32>,
        %add3A_633 = arith.constant 56 : i32
        %add3A_634 = arith.addi %add3A_633, %scan3A_501 : i32
        %get3A_635 = arith.constant 1 : i32
        %get3A_636 = arith.constant 0 : i32
        %get3A_637 = arith.index_cast %get3A_635 : i32 to index
        %get3A_638 = arith.index_cast %get3A_636 : i32 to index
        %get3A_639 = arith.index_cast %add3A_634 : i32 to index
        %get3A_640 = arith.constant 48 : index
        %get3A_641 = tpu.vector_load %arg6[%get3A_637, %get3A_638, %get3A_639, %get3A_640] {strides = array<i32>} : memref<2x2x112x128xf32, #tpu.memory_space<vmem>>, vector<1x1x1x16xf32>,
        %get3A_642 = vector.shape_cast %get3A_641 : vector<1x1x1x16xf32> to vector<16xf32>
        %swap3A_643 = arith.constant 1 : i32
        %swap3A_644 = arith.constant 1 : i32
        %swap3A_645 = arith.index_cast %swap3A_643 : i32 to index
        %swap3A_646 = arith.index_cast %swap3A_644 : i32 to index
        %swap3A_647 = arith.index_cast %scan3A_501 : i32 to index
        %swap3A_648 = arith.constant 48 : index
        %swap3A_649 = tpu.vector_load %arg7[%swap3A_645, %swap3A_646, %swap3A_647, %swap3A_648] {strides = array<i32>} : memref<2x4x50x64xf32, #tpu.memory_space<vmem>>, vector<1x1x1x16xf32>,
        %swap3A_650 = vector.shape_cast %swap3A_649 : vector<1x1x1x16xf32> to vector<16xf32>
        %swap3A_651 = vector.shape_cast %get3A_642 : vector<16xf32> to vector<1x1x1x16xf32>
        tpu.vector_store %arg7[%swap3A_645, %swap3A_646, %swap3A_647, %swap3A_648], %swap3A_651 {strides = array<i32>} : memref<2x4x50x64xf32, #tpu.memory_space<vmem>>, vector<1x1x1x16xf32>,
        %add3A_652 = arith.constant 0 : i32
        %add3A_653 = arith.addi %add3A_652, %scan3A_501 : i32
        %get3A_654 = arith.constant 1 : i32
        %get3A_655 = arith.constant 1 : i32
        %get3A_656 = arith.index_cast %get3A_654 : i32 to index
        %get3A_657 = arith.index_cast %get3A_655 : i32 to index
        %get3A_658 = arith.index_cast %add3A_653 : i32 to index
        %get3A_659 = arith.constant 0 : index
        %get3A_660 = tpu.vector_load %arg6[%get3A_656, %get3A_657, %get3A_658, %get3A_659] {strides = array<i32>} : memref<2x2x112x128xf32, #tpu.memory_space<vmem>>, vector<1x1x1x16xf32>,
        %get3A_661 = vector.shape_cast %get3A_660 : vector<1x1x1x16xf32> to vector<16xf32>
        %swap3A_662 = arith.constant 1 : i32
        %swap3A_663 = arith.constant 2 : i32
        %swap3A_664 = arith.index_cast %swap3A_662 : i32 to index
        %swap3A_665 = arith.index_cast %swap3A_663 : i32 to index
        %swap3A_666 = arith.index_cast %scan3A_501 : i32 to index
        %swap3A_667 = arith.constant 0 : index
        %swap3A_668 = tpu.vector_load %arg7[%swap3A_664, %swap3A_665, %swap3A_666, %swap3A_667] {strides = array<i32>} : memref<2x4x50x64xf32, #tpu.memory_space<vmem>>, vector<1x1x1x16xf32>,
        %swap3A_669 = vector.shape_cast %swap3A_668 : vector<1x1x1x16xf32> to vector<16xf32>
        %swap3A_670 = vector.shape_cast %get3A_661 : vector<16xf32> to vector<1x1x1x16xf32>
        tpu.vector_store %arg7[%swap3A_664, %swap3A_665, %swap3A_666, %swap3A_667], %swap3A_670 {strides = array<i32>} : memref<2x4x50x64xf32, #tpu.memory_space<vmem>>, vector<1x1x1x16xf32>,
        %add3A_671 = arith.constant 0 : i32
        %add3A_672 = arith.addi %add3A_671, %scan3A_501 : i32
        %get3A_673 = arith.constant 1 : i32
        %get3A_674 = arith.constant 1 : i32
        %get3A_675 = arith.index_cast %get3A_673 : i32 to index
        %get3A_676 = arith.index_cast %get3A_674 : i32 to index
        %get3A_677 = arith.index_cast %add3A_672 : i32 to index
        %get3A_678 = arith.constant 16 : index
        %get3A_679 = tpu.vector_load %arg6[%get3A_675, %get3A_676, %get3A_677, %get3A_678] {strides = array<i32>} : memref<2x2x112x128xf32, #tpu.memory_space<vmem>>, vector<1x1x1x16xf32>,
        %get3A_680 = vector.shape_cast %get3A_679 : vector<1x1x1x16xf32> to vector<16xf32>
        %swap3A_681 = arith.constant 1 : i32
        %swap3A_682 = arith.constant 2 : i32
        %swap3A_683 = arith.index_cast %swap3A_681 : i32 to index
        %swap3A_684 = arith.index_cast %swap3A_682 : i32 to index
        %swap3A_685 = arith.index_cast %scan3A_501 : i32 to index
        %swap3A_686 = arith.constant 16 : index
        %swap3A_687 = tpu.vector_load %arg7[%swap3A_683, %swap3A_684, %swap3A_685, %swap3A_686] {strides = array<i32>} : memref<2x4x50x64xf32, #tpu.memory_space<vmem>>, vector<1x1x1x16xf32>,
        %swap3A_688 = vector.shape_cast %swap3A_687 : vector<1x1x1x16xf32> to vector<16xf32>
        %swap3A_689 = vector.shape_cast %get3A_680 : vector<16xf32> to vector<1x1x1x16xf32>
        tpu.vector_store %arg7[%swap3A_683, %swap3A_684, %swap3A_685, %swap3A_686], %swap3A_689 {strides = array<i32>} : memref<2x4x50x64xf32, #tpu.memory_space<vmem>>, vector<1x1x1x16xf32>,
        %add3A_690 = arith.constant 0 : i32
        %add3A_691 = arith.addi %add3A_690, %scan3A_501 : i32
        %get3A_692 = arith.constant 1 : i32
        %get3A_693 = arith.constant 1 : i32
        %get3A_694 = arith.index_cast %get3A_692 : i32 to index
        %get3A_695 = arith.index_cast %get3A_693 : i32 to index
        %get3A_696 = arith.index_cast %add3A_691 : i32 to index
        %get3A_697 = arith.constant 32 : index
        %get3A_698 = tpu.vector_load %arg6[%get3A_694, %get3A_695, %get3A_696, %get3A_697] {strides = array<i32>} : memref<2x2x112x128xf32, #tpu.memory_space<vmem>>, vector<1x1x1x16xf32>,
        %get3A_699 = vector.shape_cast %get3A_698 : vector<1x1x1x16xf32> to vector<16xf32>
        %swap3A_700 = arith.constant 1 : i32
        %swap3A_701 = arith.constant 2 : i32
        %swap3A_702 = arith.index_cast %swap3A_700 : i32 to index
        %swap3A_703 = arith.index_cast %swap3A_701 : i32 to index
        %swap3A_704 = arith.index_cast %scan3A_501 : i32 to index
        %swap3A_705 = arith.constant 32 : index
        %swap3A_706 = tpu.vector_load %arg7[%swap3A_702, %swap3A_703, %swap3A_704, %swap3A_705] {strides = array<i32>} : memref<2x4x50x64xf32, #tpu.memory_space<vmem>>, vector<1x1x1x16xf32>,
        %swap3A_707 = vector.shape_cast %swap3A_706 : vector<1x1x1x16xf32> to vector<16xf32>
        %swap3A_708 = vector.shape_cast %get3A_699 : vector<16xf32> to vector<1x1x1x16xf32>
        tpu.vector_store %arg7[%swap3A_702, %swap3A_703, %swap3A_704, %swap3A_705], %swap3A_708 {strides = array<i32>} : memref<2x4x50x64xf32, #tpu.memory_space<vmem>>, vector<1x1x1x16xf32>,
        %add3A_709 = arith.constant 0 : i32
        %add3A_710 = arith.addi %add3A_709, %scan3A_501 : i32
        %get3A_711 = arith.constant 1 : i32
        %get3A_712 = arith.constant 1 : i32
        %get3A_713 = arith.index_cast %get3A_711 : i32 to index
        %get3A_714 = arith.index_cast %get3A_712 : i32 to index
        %get3A_715 = arith.index_cast %add3A_710 : i32 to index
        %get3A_716 = arith.constant 48 : index
        %get3A_717 = tpu.vector_load %arg6[%get3A_713, %get3A_714, %get3A_715, %get3A_716] {strides = array<i32>} : memref<2x2x112x128xf32, #tpu.memory_space<vmem>>, vector<1x1x1x16xf32>,
        %get3A_718 = vector.shape_cast %get3A_717 : vector<1x1x1x16xf32> to vector<16xf32>
        %swap3A_719 = arith.constant 1 : i32
        %swap3A_720 = arith.constant 2 : i32
        %swap3A_721 = arith.index_cast %swap3A_719 : i32 to index
        %swap3A_722 = arith.index_cast %swap3A_720 : i32 to index
        %swap3A_723 = arith.index_cast %scan3A_501 : i32 to index
        %swap3A_724 = arith.constant 48 : index
        %swap3A_725 = tpu.vector_load %arg7[%swap3A_721, %swap3A_722, %swap3A_723, %swap3A_724] {strides = array<i32>} : memref<2x4x50x64xf32, #tpu.memory_space<vmem>>, vector<1x1x1x16xf32>,
        %swap3A_726 = vector.shape_cast %swap3A_725 : vector<1x1x1x16xf32> to vector<16xf32>
        %swap3A_727 = vector.shape_cast %get3A_718 : vector<16xf32> to vector<1x1x1x16xf32>
        tpu.vector_store %arg7[%swap3A_721, %swap3A_722, %swap3A_723, %swap3A_724], %swap3A_727 {strides = array<i32>} : memref<2x4x50x64xf32, #tpu.memory_space<vmem>>, vector<1x1x1x16xf32>,
        %add3A_728 = arith.constant 56 : i32
        %add3A_729 = arith.addi %add3A_728, %scan3A_501 : i32
        %get3A_730 = arith.constant 1 : i32
        %get3A_731 = arith.constant 1 : i32
        %get3A_732 = arith.index_cast %get3A_730 : i32 to index
        %get3A_733 = arith.index_cast %get3A_731 : i32 to index
        %get3A_734 = arith.index_cast %add3A_729 : i32 to index
        %get3A_735 = arith.constant 0 : index
        %get3A_736 = tpu.vector_load %arg6[%get3A_732, %get3A_733, %get3A_734, %get3A_735] {strides = array<i32>} : memref<2x2x112x128xf32, #tpu.memory_space<vmem>>, vector<1x1x1x16xf32>,
        %get3A_737 = vector.shape_cast %get3A_736 : vector<1x1x1x16xf32> to vector<16xf32>
        %swap3A_738 = arith.constant 1 : i32
        %swap3A_739 = arith.constant 3 : i32
        %swap3A_740 = arith.index_cast %swap3A_738 : i32 to index
        %swap3A_741 = arith.index_cast %swap3A_739 : i32 to index
        %swap3A_742 = arith.index_cast %scan3A_501 : i32 to index
        %swap3A_743 = arith.constant 0 : index
        %swap3A_744 = tpu.vector_load %arg7[%swap3A_740, %swap3A_741, %swap3A_742, %swap3A_743] {strides = array<i32>} : memref<2x4x50x64xf32, #tpu.memory_space<vmem>>, vector<1x1x1x16xf32>,
        %swap3A_745 = vector.shape_cast %swap3A_744 : vector<1x1x1x16xf32> to vector<16xf32>
        %swap3A_746 = vector.shape_cast %get3A_737 : vector<16xf32> to vector<1x1x1x16xf32>
        tpu.vector_store %arg7[%swap3A_740, %swap3A_741, %swap3A_742, %swap3A_743], %swap3A_746 {strides = array<i32>} : memref<2x4x50x64xf32, #tpu.memory_space<vmem>>, vector<1x1x1x16xf32>,
        %add3A_747 = arith.constant 56 : i32
        %add3A_748 = arith.addi %add3A_747, %scan3A_501 : i32
        %get3A_749 = arith.constant 1 : i32
        %get3A_750 = arith.constant 1 : i32
        %get3A_751 = arith.index_cast %get3A_749 : i32 to index
        %get3A_752 = arith.index_cast %get3A_750 : i32 to index
        %get3A_753 = arith.index_cast %add3A_748 : i32 to index
        %get3A_754 = arith.constant 16 : index
        %get3A_755 = tpu.vector_load %arg6[%get3A_751, %get3A_752, %get3A_753, %get3A_754] {strides = array<i32>} : memref<2x2x112x128xf32, #tpu.memory_space<vmem>>, vector<1x1x1x16xf32>,
        %get3A_756 = vector.shape_cast %get3A_755 : vector<1x1x1x16xf32> to vector<16xf32>
        %swap3A_757 = arith.constant 1 : i32
        %swap3A_758 = arith.constant 3 : i32
        %swap3A_759 = arith.index_cast %swap3A_757 : i32 to index
        %swap3A_760 = arith.index_cast %swap3A_758 : i32 to index
        %swap3A_761 = arith.index_cast %scan3A_501 : i32 to index
        %swap3A_762 = arith.constant 16 : index
        %swap3A_763 = tpu.vector_load %arg7[%swap3A_759, %swap3A_760, %swap3A_761, %swap3A_762] {strides = array<i32>} : memref<2x4x50x64xf32, #tpu.memory_space<vmem>>, vector<1x1x1x16xf32>,
        %swap3A_764 = vector.shape_cast %swap3A_763 : vector<1x1x1x16xf32> to vector<16xf32>
        %swap3A_765 = vector.shape_cast %get3A_756 : vector<16xf32> to vector<1x1x1x16xf32>
        tpu.vector_store %arg7[%swap3A_759, %swap3A_760, %swap3A_761, %swap3A_762], %swap3A_765 {strides = array<i32>} : memref<2x4x50x64xf32, #tpu.memory_space<vmem>>, vector<1x1x1x16xf32>,
        %add3A_766 = arith.constant 56 : i32
        %add3A_767 = arith.addi %add3A_766, %scan3A_501 : i32
        %get3A_768 = arith.constant 1 : i32
        %get3A_769 = arith.constant 1 : i32
        %get3A_770 = arith.index_cast %get3A_768 : i32 to index
        %get3A_771 = arith.index_cast %get3A_769 : i32 to index
        %get3A_772 = arith.index_cast %add3A_767 : i32 to index
        %get3A_773 = arith.constant 32 : index
        %get3A_774 = tpu.vector_load %arg6[%get3A_770, %get3A_771, %get3A_772, %get3A_773] {strides = array<i32>} : memref<2x2x112x128xf32, #tpu.memory_space<vmem>>, vector<1x1x1x16xf32>,
        %get3A_775 = vector.shape_cast %get3A_774 : vector<1x1x1x16xf32> to vector<16xf32>
        %swap3A_776 = arith.constant 1 : i32
        %swap3A_777 = arith.constant 3 : i32
        %swap3A_778 = arith.index_cast %swap3A_776 : i32 to index
        %swap3A_779 = arith.index_cast %swap3A_777 : i32 to index
        %swap3A_780 = arith.index_cast %scan3A_501 : i32 to index
        %swap3A_781 = arith.constant 32 : index
        %swap3A_782 = tpu.vector_load %arg7[%swap3A_778, %swap3A_779, %swap3A_780, %swap3A_781] {strides = array<i32>} : memref<2x4x50x64xf32, #tpu.memory_space<vmem>>, vector<1x1x1x16xf32>,
        %swap3A_783 = vector.shape_cast %swap3A_782 : vector<1x1x1x16xf32> to vector<16xf32>
        %swap3A_784 = vector.shape_cast %get3A_775 : vector<16xf32> to vector<1x1x1x16xf32>
        tpu.vector_store %arg7[%swap3A_778, %swap3A_779, %swap3A_780, %swap3A_781], %swap3A_784 {strides = array<i32>} : memref<2x4x50x64xf32, #tpu.memory_space<vmem>>, vector<1x1x1x16xf32>,
        %add3A_785 = arith.constant 56 : i32
        %add3A_786 = arith.addi %add3A_785, %scan3A_501 : i32
        %get3A_787 = arith.constant 1 : i32
        %get3A_788 = arith.constant 1 : i32
        %get3A_789 = arith.index_cast %get3A_787 : i32 to index
        %get3A_790 = arith.index_cast %get3A_788 : i32 to index
        %get3A_791 = arith.index_cast %add3A_786 : i32 to index
        %get3A_792 = arith.constant 48 : index
        %get3A_793 = tpu.vector_load %arg6[%get3A_789, %get3A_790, %get3A_791, %get3A_792] {strides = array<i32>} : memref<2x2x112x128xf32, #tpu.memory_space<vmem>>, vector<1x1x1x16xf32>,
        %get3A_794 = vector.shape_cast %get3A_793 : vector<1x1x1x16xf32> to vector<16xf32>
        %swap3A_795 = arith.constant 1 : i32
        %swap3A_796 = arith.constant 3 : i32
        %swap3A_797 = arith.index_cast %swap3A_795 : i32 to index
        %swap3A_798 = arith.index_cast %swap3A_796 : i32 to index
        %swap3A_799 = arith.index_cast %scan3A_501 : i32 to index
        %swap3A_800 = arith.constant 48 : index
        %swap3A_801 = tpu.vector_load %arg7[%swap3A_797, %swap3A_798, %swap3A_799, %swap3A_800] {strides = array<i32>} : memref<2x4x50x64xf32, #tpu.memory_space<vmem>>, vector<1x1x1x16xf32>,
        %swap3A_802 = vector.shape_cast %swap3A_801 : vector<1x1x1x16xf32> to vector<16xf32>
        %swap3A_803 = vector.shape_cast %get3A_794 : vector<16xf32> to vector<1x1x1x16xf32>
        tpu.vector_store %arg7[%swap3A_797, %swap3A_798, %swap3A_799, %swap3A_800], %swap3A_803 {strides = array<i32>} : memref<2x4x50x64xf32, #tpu.memory_space<vmem>>, vector<1x1x1x16xf32>,
      }
      %scan3A_414 = arith.constant 50 : i32
      %mul3A_415 = arith.constant 4 : i32
      %mul3A_416 = arith.muli %add3A_366, %mul3A_415 : i32
      %add3A_417 = arith.addi %mul3A_2, %mul3A_416 : i32
      %dma_start3A_418 = arith.constant 1 : i32
      %dma_start3A_419 = arith.constant 0 : i32
      %dma_start3A_420 = arith.constant 0 : i32
      %dma_start3A_421 = arith.constant 0 : i32
      %dma_start3A_422 = tpu.memref_slice %arg7[%dma_start3A_418, %dma_start3A_419, %dma_start3A_420, %dma_start3A_421] : memref<2x4x50x64xf32, #tpu.memory_space<vmem>> -> memref<1x4x50x64xf32, #tpu.memory_space<vmem>>
      %dma_start3A_423 = tpu.memref_squeeze %dma_start3A_422 : memref<1x4x50x64xf32, #tpu.memory_space<vmem>> -> memref<4x50x64xf32, #tpu.memory_space<vmem>>
      %dma_start3A_424 = arith.constant 0 : i32
      %dma_start3A_425 = arith.constant 0 : i32
      %dma_start3A_426 = tpu.memref_slice %arg4[%add3A_417, %dma_start3A_424, %dma_start3A_425] : memref<4096x50x64xf32, #tpu.memory_space<hbm>> -> memref<4x50x64xf32, #tpu.memory_space<hbm>>
      %dma_start3A_427 = arith.constant 0 : i32
      %dma_start3A_428 = arith.constant 0 : i32
      %dma_start3A_429 = tpu.memref_slice %arg4[%add3A_417, %dma_start3A_427, %dma_start3A_428] : memref<4096x50x64xf32, #tpu.memory_space<hbm>> -> memref<4x50x64xf32, #tpu.memory_space<hbm>>
      %dma_start3A_430 = arith.constant 0 : i32
      %dma_start3A_431 = arith.constant 0 : i32
      %dma_start3A_432 = arith.constant 0 : i32
      %dma_start3A_433 = tpu.memref_slice %arg7[%dma_start3A_418, %dma_start3A_430, %dma_start3A_431, %dma_start3A_432] : memref<2x4x50x64xf32, #tpu.memory_space<vmem>> -> memref<1x4x50x64xf32, #tpu.memory_space<vmem>>
      %dma_start3A_434 = tpu.memref_squeeze %dma_start3A_433 : memref<1x4x50x64xf32, #tpu.memory_space<vmem>> -> memref<4x50x64xf32, #tpu.memory_space<vmem>>
      tpu.enqueue_dma source(%dma_start3A_434 : memref<4x50x64xf32, #tpu.memory_space<vmem>>) target(%dma_start3A_429 : memref<4x50x64xf32, #tpu.memory_space<hbm>>) target_semaphore(%arg11 : memref<!tpu.dma_semaphore, #tpu.memory_space<semaphore_mem>>)
      %mul3A_435 = arith.constant 4 : i32
      %mul3A_436 = arith.muli %add3A_366, %mul3A_435 : i32
      %add3A_437 = arith.addi %mul3A_2, %mul3A_436 : i32
      %dma_wait3A_438 = arith.constant 1 : i32
      %dma_wait3A_439 = arith.constant 0 : i32
      %dma_wait3A_440 = arith.constant 0 : i32
      %dma_wait3A_441 = arith.constant 0 : i32
      %dma_wait3A_442 = tpu.memref_slice %arg7[%dma_wait3A_438, %dma_wait3A_439, %dma_wait3A_440, %dma_wait3A_441] : memref<2x4x50x64xf32, #tpu.memory_space<vmem>> -> memref<1x4x50x64xf32, #tpu.memory_space<vmem>>
      %dma_wait3A_443 = tpu.memref_squeeze %dma_wait3A_442 : memref<1x4x50x64xf32, #tpu.memory_space<vmem>> -> memref<4x50x64xf32, #tpu.memory_space<vmem>>
      %dma_wait3A_444 = arith.constant 0 : i32
      %dma_wait3A_445 = arith.constant 0 : i32
      %dma_wait3A_446 = tpu.memref_slice %arg4[%add3A_437, %dma_wait3A_444, %dma_wait3A_445] : memref<4096x50x64xf32, #tpu.memory_space<hbm>> -> memref<4x50x64xf32, #tpu.memory_space<hbm>>
      %dma_wait3A_447 = arith.constant 0 : i32
      %dma_wait3A_448 = arith.constant 0 : i32
      %dma_wait3A_449 = tpu.memref_slice %arg4[%add3A_437, %dma_wait3A_447, %dma_wait3A_448] : memref<4096x50x64xf32, #tpu.memory_space<hbm>> -> memref<4x50x64xf32, #tpu.memory_space<hbm>>
      %dma_wait3A_450 = arith.constant 0 : i32
      %dma_wait3A_451 = arith.constant 0 : i32
      %dma_wait3A_452 = arith.constant 0 : i32
      %dma_wait3A_453 = tpu.memref_slice %arg7[%dma_wait3A_438, %dma_wait3A_450, %dma_wait3A_451, %dma_wait3A_452] : memref<2x4x50x64xf32, #tpu.memory_space<vmem>> -> memref<1x4x50x64xf32, #tpu.memory_space<vmem>>
      %dma_wait3A_454 = tpu.memref_squeeze %dma_wait3A_453 : memref<1x4x50x64xf32, #tpu.memory_space<vmem>> -> memref<4x50x64xf32, #tpu.memory_space<vmem>>
      tpu.wait_dma2 semaphore(%arg11 : memref<!tpu.dma_semaphore, #tpu.memory_space<semaphore_mem>>) src(%dma_wait3A_454 : memref<4x50x64xf32, #tpu.memory_space<vmem>>) dst(%dma_wait3A_449 : memref<4x50x64xf32, #tpu.memory_space<hbm>>)
      %add3A_455 = arith.constant 2 : i32
      %add3A_456 = arith.addi %add3A_366, %add3A_455 : i32
      %mul3A_457 = arith.constant 4 : i32
      %mul3A_458 = arith.muli %add3A_456, %mul3A_457 : i32
      %add3A_459 = arith.constant 0 : i32
      %add3A_460 = arith.addi %mul3A_458, %add3A_459 : i32
      %mul3A_461 = arith.constant 56 : i32
      %mul3A_462 = arith.muli %add3A_460, %mul3A_461 : i32
      %dma_start3A_463 = arith.constant 1 : i32
      %dma_start3A_464 = arith.constant 0 : i32
      %dma_start3A_465 = arith.constant 0 : i32
      %dma_start3A_466 = arith.constant 0 : i32
      %dma_start3A_467 = arith.constant 0 : i32
      %dma_start3A_468 = tpu.memref_slice %arg6[%dma_start3A_463, %dma_start3A_465, %dma_start3A_466, %dma_start3A_467] : memref<2x2x112x128xf32, #tpu.memory_space<vmem>> -> memref<1x2x112x128xf32, #tpu.memory_space<vmem>>
      %dma_start3A_469 = tpu.memref_squeeze %dma_start3A_468 : memref<1x2x112x128xf32, #tpu.memory_space<vmem>> -> memref<2x112x128xf32, #tpu.memory_space<vmem>>
      %dma_start3A_470 = arith.constant 0 : i32
      %dma_start3A_471 = arith.constant 0 : i32
      %dma_start3A_472 = tpu.memref_slice %dma_start3A_469[%dma_start3A_464, %dma_start3A_470, %dma_start3A_471] : memref<2x112x128xf32, #tpu.memory_space<vmem>> -> memref<1x112x128xf32, #tpu.memory_space<vmem>>
      %dma_start3A_473 = tpu.memref_squeeze %dma_start3A_472 : memref<1x112x128xf32, #tpu.memory_space<vmem>> -> memref<112x128xf32, #tpu.memory_space<vmem>>
      %dma_start3A_474 = tpu.memref_slice %arg5[%mul3A_462] : memref<7168xi32, #tpu.memory_space<vmem>> -> memref<112xi32, #tpu.memory_space<vmem>>
      %dma_start3A_475 = arith.constant 0 : i32
      %dma_start3A_476 = arith.constant 0 : i32
      %dma_start3A_477 = tpu.memref_slice %arg2[%dma_start3A_475, %dma_start3A_476] : memref<100001x128xf32, #tpu.memory_space<hbm>> -> memref<100001x128xf32, #tpu.memory_space<hbm>>
      tpu.enqueue_indirect_dma source(%dma_start3A_477 : memref<100001x128xf32, #tpu.memory_space<hbm>>) target(%dma_start3A_473 : memref<112x128xf32, #tpu.memory_space<vmem>>) offsets(%dma_start3A_474 : memref<112xi32, #tpu.memory_space<vmem>>) semaphore(%arg9 : memref<!tpu.dma_semaphore, #tpu.memory_space<semaphore_mem>>)
      %add3A_478 = arith.constant 2 : i32
      %add3A_479 = arith.addi %add3A_366, %add3A_478 : i32
      %mul3A_480 = arith.constant 4 : i32
      %mul3A_481 = arith.muli %add3A_479, %mul3A_480 : i32
      %add3A_482 = arith.constant 2 : i32
      %add3A_483 = arith.addi %mul3A_481, %add3A_482 : i32
      %mul3A_484 = arith.constant 56 : i32
      %mul3A_485 = arith.muli %add3A_483, %mul3A_484 : i32
      %dma_start3A_486 = arith.constant 1 : i32
      %dma_start3A_487 = arith.constant 1 : i32
      %dma_start3A_488 = arith.constant 0 : i32
      %dma_start3A_489 = arith.constant 0 : i32
      %dma_start3A_490 = arith.constant 0 : i32
      %dma_start3A_491 = tpu.memref_slice %arg6[%dma_start3A_486, %dma_start3A_488, %dma_start3A_489, %dma_start3A_490] : memref<2x2x112x128xf32, #tpu.memory_space<vmem>> -> memref<1x2x112x128xf32, #tpu.memory_space<vmem>>
      %dma_start3A_492 = tpu.memref_squeeze %dma_start3A_491 : memref<1x2x112x128xf32, #tpu.memory_space<vmem>> -> memref<2x112x128xf32, #tpu.memory_space<vmem>>
      %dma_start3A_493 = arith.constant 0 : i32
      %dma_start3A_494 = arith.constant 0 : i32
      %dma_start3A_495 = tpu.memref_slice %dma_start3A_492[%dma_start3A_487, %dma_start3A_493, %dma_start3A_494] : memref<2x112x128xf32, #tpu.memory_space<vmem>> -> memref<1x112x128xf32, #tpu.memory_space<vmem>>
      %dma_start3A_496 = tpu.memref_squeeze %dma_start3A_495 : memref<1x112x128xf32, #tpu.memory_space<vmem>> -> memref<112x128xf32, #tpu.memory_space<vmem>>
      %dma_start3A_497 = tpu.memref_slice %arg5[%mul3A_485] : memref<7168xi32, #tpu.memory_space<vmem>> -> memref<112xi32, #tpu.memory_space<vmem>>
      %dma_start3A_498 = arith.constant 0 : i32
      %dma_start3A_499 = arith.constant 0 : i32
      %dma_start3A_500 = tpu.memref_slice %arg2[%dma_start3A_498, %dma_start3A_499] : memref<100001x128xf32, #tpu.memory_space<hbm>> -> memref<100001x128xf32, #tpu.memory_space<hbm>>
      tpu.enqueue_indirect_dma source(%dma_start3A_500 : memref<100001x128xf32, #tpu.memory_space<hbm>>) target(%dma_start3A_496 : memref<112x128xf32, #tpu.memory_space<vmem>>) offsets(%dma_start3A_497 : memref<112xi32, #tpu.memory_space<vmem>>) semaphore(%arg9 : memref<!tpu.dma_semaphore, #tpu.memory_space<semaphore_mem>>)
    }
    %scan3A_72 = arith.constant 15 : i32
    %dma_wait3A = arith.constant 0 : i32
    %dma_wait3A_73 = arith.constant 0 : i32
    %dma_wait3A_74 = arith.constant 0 : i32
    %dma_wait3A_75 = arith.constant 0 : i32
    %dma_wait3A_76 = arith.constant 0 : i32
    %dma_wait3A_77 = tpu.memref_slice %arg6[%dma_wait3A, %dma_wait3A_74, %dma_wait3A_75, %dma_wait3A_76] : memref<2x2x112x128xf32, #tpu.memory_space<vmem>> -> memref<1x2x112x128xf32, #tpu.memory_space<vmem>>
    %dma_wait3A_78 = tpu.memref_squeeze %dma_wait3A_77 : memref<1x2x112x128xf32, #tpu.memory_space<vmem>> -> memref<2x112x128xf32, #tpu.memory_space<vmem>>
    %dma_wait3A_79 = arith.constant 0 : i32
    %dma_wait3A_80 = arith.constant 0 : i32
    %dma_wait3A_81 = tpu.memref_slice %dma_wait3A_78[%dma_wait3A_73, %dma_wait3A_79, %dma_wait3A_80] : memref<2x112x128xf32, #tpu.memory_space<vmem>> -> memref<1x112x128xf32, #tpu.memory_space<vmem>>
    %dma_wait3A_82 = tpu.memref_squeeze %dma_wait3A_81 : memref<1x112x128xf32, #tpu.memory_space<vmem>> -> memref<112x128xf32, #tpu.memory_space<vmem>>
    %dma_wait3A_83 = arith.constant 6720 : i32
    %dma_wait3A_84 = tpu.memref_slice %arg5[%dma_wait3A_83] : memref<7168xi32, #tpu.memory_space<vmem>> -> memref<112xi32, #tpu.memory_space<vmem>>
    %dma_wait3A_85 = arith.constant 0 : i32
    %dma_wait3A_86 = arith.constant 0 : i32
    %dma_wait3A_87 = tpu.memref_slice %arg2[%dma_wait3A_85, %dma_wait3A_86] : memref<100001x128xf32, #tpu.memory_space<hbm>> -> memref<100001x128xf32, #tpu.memory_space<hbm>>
    tpu.wait_indirect_dma semaphore(%arg8 : memref<!tpu.dma_semaphore, #tpu.memory_space<semaphore_mem>>) src(%dma_wait3A_87 : memref<100001x128xf32, #tpu.memory_space<hbm>>) dst(%dma_wait3A_82 : memref<112x128xf32, #tpu.memory_space<vmem>>)
    %dma_wait3A_88 = arith.constant 0 : i32
    %dma_wait3A_89 = arith.constant 1 : i32
    %dma_wait3A_90 = arith.constant 0 : i32
    %dma_wait3A_91 = arith.constant 0 : i32
    %dma_wait3A_92 = arith.constant 0 : i32
    %dma_wait3A_93 = tpu.memref_slice %arg6[%dma_wait3A_88, %dma_wait3A_90, %dma_wait3A_91, %dma_wait3A_92] : memref<2x2x112x128xf32, #tpu.memory_space<vmem>> -> memref<1x2x112x128xf32, #tpu.memory_space<vmem>>
    %dma_wait3A_94 = tpu.memref_squeeze %dma_wait3A_93 : memref<1x2x112x128xf32, #tpu.memory_space<vmem>> -> memref<2x112x128xf32, #tpu.memory_space<vmem>>
    %dma_wait3A_95 = arith.constant 0 : i32
    %dma_wait3A_96 = arith.constant 0 : i32
    %dma_wait3A_97 = tpu.memref_slice %dma_wait3A_94[%dma_wait3A_89, %dma_wait3A_95, %dma_wait3A_96] : memref<2x112x128xf32, #tpu.memory_space<vmem>> -> memref<1x112x128xf32, #tpu.memory_space<vmem>>
    %dma_wait3A_98 = tpu.memref_squeeze %dma_wait3A_97 : memref<1x112x128xf32, #tpu.memory_space<vmem>> -> memref<112x128xf32, #tpu.memory_space<vmem>>
    %dma_wait3A_99 = arith.constant 6832 : i32
    %dma_wait3A_100 = tpu.memref_slice %arg5[%dma_wait3A_99] : memref<7168xi32, #tpu.memory_space<vmem>> -> memref<112xi32, #tpu.memory_space<vmem>>
    %dma_wait3A_101 = arith.constant 0 : i32
    %dma_wait3A_102 = arith.constant 0 : i32
    %dma_wait3A_103 = tpu.memref_slice %arg2[%dma_wait3A_101, %dma_wait3A_102] : memref<100001x128xf32, #tpu.memory_space<hbm>> -> memref<100001x128xf32, #tpu.memory_space<hbm>>
    tpu.wait_indirect_dma semaphore(%arg8 : memref<!tpu.dma_semaphore, #tpu.memory_space<semaphore_mem>>) src(%dma_wait3A_103 : memref<100001x128xf32, #tpu.memory_space<hbm>>) dst(%dma_wait3A_98 : memref<112x128xf32, #tpu.memory_space<vmem>>)
    %scan3A_104 = arith.constant 0 : i32
    %scan3A_105 = arith.constant 0 : i32
    %scan3A_106 = arith.constant 50 : i32
    %scan3A_107 = arith.addi %scan3A_105, %scan3A_106 : i32
    %scan3A_108 = arith.constant 1 : i32
    scf.for %scan3A_224 = %scan3A_105 to %scan3A_107 step %scan3A_108  : i32 {
      %add3A_225 = arith.constant 0 : i32
      %add3A_226 = arith.addi %add3A_225, %scan3A_224 : i32
      %get3A = arith.constant 0 : i32
      %get3A_227 = arith.constant 0 : i32
      %get3A_228 = arith.index_cast %get3A : i32 to index
      %get3A_229 = arith.index_cast %get3A_227 : i32 to index
      %get3A_230 = arith.index_cast %add3A_226 : i32 to index
      %get3A_231 = arith.constant 0 : index
      %get3A_232 = tpu.vector_load %arg6[%get3A_228, %get3A_229, %get3A_230, %get3A_231] {strides = array<i32>} : memref<2x2x112x128xf32, #tpu.memory_space<vmem>>, vector<1x1x1x16xf32>,
      %get3A_233 = vector.shape_cast %get3A_232 : vector<1x1x1x16xf32> to vector<16xf32>
      %swap3A = arith.constant 0 : i32
      %swap3A_234 = arith.constant 0 : i32
      %swap3A_235 = arith.index_cast %swap3A : i32 to index
      %swap3A_236 = arith.index_cast %swap3A_234 : i32 to index
      %swap3A_237 = arith.index_cast %scan3A_224 : i32 to index
      %swap3A_238 = arith.constant 0 : index
      %swap3A_239 = tpu.vector_load %arg7[%swap3A_235, %swap3A_236, %swap3A_237, %swap3A_238] {strides = array<i32>} : memref<2x4x50x64xf32, #tpu.memory_space<vmem>>, vector<1x1x1x16xf32>,
      %swap3A_240 = vector.shape_cast %swap3A_239 : vector<1x1x1x16xf32> to vector<16xf32>
      %swap3A_241 = vector.shape_cast %get3A_233 : vector<16xf32> to vector<1x1x1x16xf32>
      tpu.vector_store %arg7[%swap3A_235, %swap3A_236, %swap3A_237, %swap3A_238], %swap3A_241 {strides = array<i32>} : memref<2x4x50x64xf32, #tpu.memory_space<vmem>>, vector<1x1x1x16xf32>,
      %add3A_242 = arith.constant 0 : i32
      %add3A_243 = arith.addi %add3A_242, %scan3A_224 : i32
      %get3A_244 = arith.constant 0 : i32
      %get3A_245 = arith.constant 0 : i32
      %get3A_246 = arith.index_cast %get3A_244 : i32 to index
      %get3A_247 = arith.index_cast %get3A_245 : i32 to index
      %get3A_248 = arith.index_cast %add3A_243 : i32 to index
      %get3A_249 = arith.constant 16 : index
      %get3A_250 = tpu.vector_load %arg6[%get3A_246, %get3A_247, %get3A_248, %get3A_249] {strides = array<i32>} : memref<2x2x112x128xf32, #tpu.memory_space<vmem>>, vector<1x1x1x16xf32>,
      %get3A_251 = vector.shape_cast %get3A_250 : vector<1x1x1x16xf32> to vector<16xf32>
      %swap3A_252 = arith.constant 0 : i32
      %swap3A_253 = arith.constant 0 : i32
      %swap3A_254 = arith.index_cast %swap3A_252 : i32 to index
      %swap3A_255 = arith.index_cast %swap3A_253 : i32 to index
      %swap3A_256 = arith.index_cast %scan3A_224 : i32 to index
      %swap3A_257 = arith.constant 16 : index
      %swap3A_258 = tpu.vector_load %arg7[%swap3A_254, %swap3A_255, %swap3A_256, %swap3A_257] {strides = array<i32>} : memref<2x4x50x64xf32, #tpu.memory_space<vmem>>, vector<1x1x1x16xf32>,
      %swap3A_259 = vector.shape_cast %swap3A_258 : vector<1x1x1x16xf32> to vector<16xf32>
      %swap3A_260 = vector.shape_cast %get3A_251 : vector<16xf32> to vector<1x1x1x16xf32>
      tpu.vector_store %arg7[%swap3A_254, %swap3A_255, %swap3A_256, %swap3A_257], %swap3A_260 {strides = array<i32>} : memref<2x4x50x64xf32, #tpu.memory_space<vmem>>, vector<1x1x1x16xf32>,
      %add3A_261 = arith.constant 0 : i32
      %add3A_262 = arith.addi %add3A_261, %scan3A_224 : i32
      %get3A_263 = arith.constant 0 : i32
      %get3A_264 = arith.constant 0 : i32
      %get3A_265 = arith.index_cast %get3A_263 : i32 to index
      %get3A_266 = arith.index_cast %get3A_264 : i32 to index
      %get3A_267 = arith.index_cast %add3A_262 : i32 to index
      %get3A_268 = arith.constant 32 : index
      %get3A_269 = tpu.vector_load %arg6[%get3A_265, %get3A_266, %get3A_267, %get3A_268] {strides = array<i32>} : memref<2x2x112x128xf32, #tpu.memory_space<vmem>>, vector<1x1x1x16xf32>,
      %get3A_270 = vector.shape_cast %get3A_269 : vector<1x1x1x16xf32> to vector<16xf32>
      %swap3A_271 = arith.constant 0 : i32
      %swap3A_272 = arith.constant 0 : i32
      %swap3A_273 = arith.index_cast %swap3A_271 : i32 to index
      %swap3A_274 = arith.index_cast %swap3A_272 : i32 to index
      %swap3A_275 = arith.index_cast %scan3A_224 : i32 to index
      %swap3A_276 = arith.constant 32 : index
      %swap3A_277 = tpu.vector_load %arg7[%swap3A_273, %swap3A_274, %swap3A_275, %swap3A_276] {strides = array<i32>} : memref<2x4x50x64xf32, #tpu.memory_space<vmem>>, vector<1x1x1x16xf32>,
      %swap3A_278 = vector.shape_cast %swap3A_277 : vector<1x1x1x16xf32> to vector<16xf32>
      %swap3A_279 = vector.shape_cast %get3A_270 : vector<16xf32> to vector<1x1x1x16xf32>
      tpu.vector_store %arg7[%swap3A_273, %swap3A_274, %swap3A_275, %swap3A_276], %swap3A_279 {strides = array<i32>} : memref<2x4x50x64xf32, #tpu.memory_space<vmem>>, vector<1x1x1x16xf32>,
      %add3A_280 = arith.constant 0 : i32
      %add3A_281 = arith.addi %add3A_280, %scan3A_224 : i32
      %get3A_282 = arith.constant 0 : i32
      %get3A_283 = arith.constant 0 : i32
      %get3A_284 = arith.index_cast %get3A_282 : i32 to index
      %get3A_285 = arith.index_cast %get3A_283 : i32 to index
      %get3A_286 = arith.index_cast %add3A_281 : i32 to index
      %get3A_287 = arith.constant 48 : index
      %get3A_288 = tpu.vector_load %arg6[%get3A_284, %get3A_285, %get3A_286, %get3A_287] {strides = array<i32>} : memref<2x2x112x128xf32, #tpu.memory_space<vmem>>, vector<1x1x1x16xf32>,
      %get3A_289 = vector.shape_cast %get3A_288 : vector<1x1x1x16xf32> to vector<16xf32>
      %swap3A_290 = arith.constant 0 : i32
      %swap3A_291 = arith.constant 0 : i32
      %swap3A_292 = arith.index_cast %swap3A_290 : i32 to index
      %swap3A_293 = arith.index_cast %swap3A_291 : i32 to index
      %swap3A_294 = arith.index_cast %scan3A_224 : i32 to index
      %swap3A_295 = arith.constant 48 : index
      %swap3A_296 = tpu.vector_load %arg7[%swap3A_292, %swap3A_293, %swap3A_294, %swap3A_295] {strides = array<i32>} : memref<2x4x50x64xf32, #tpu.memory_space<vmem>>, vector<1x1x1x16xf32>,
      %swap3A_297 = vector.shape_cast %swap3A_296 : vector<1x1x1x16xf32> to vector<16xf32>
      %swap3A_298 = vector.shape_cast %get3A_289 : vector<16xf32> to vector<1x1x1x16xf32>
      tpu.vector_store %arg7[%swap3A_292, %swap3A_293, %swap3A_294, %swap3A_295], %swap3A_298 {strides = array<i32>} : memref<2x4x50x64xf32, #tpu.memory_space<vmem>>, vector<1x1x1x16xf32>,
      %add3A_299 = arith.constant 56 : i32
      %add3A_300 = arith.addi %add3A_299, %scan3A_224 : i32
      %get3A_301 = arith.constant 0 : i32
      %get3A_302 = arith.constant 0 : i32
      %get3A_303 = arith.index_cast %get3A_301 : i32 to index
      %get3A_304 = arith.index_cast %get3A_302 : i32 to index
      %get3A_305 = arith.index_cast %add3A_300 : i32 to index
      %get3A_306 = arith.constant 0 : index
      %get3A_307 = tpu.vector_load %arg6[%get3A_303, %get3A_304, %get3A_305, %get3A_306] {strides = array<i32>} : memref<2x2x112x128xf32, #tpu.memory_space<vmem>>, vector<1x1x1x16xf32>,
      %get3A_308 = vector.shape_cast %get3A_307 : vector<1x1x1x16xf32> to vector<16xf32>
      %swap3A_309 = arith.constant 0 : i32
      %swap3A_310 = arith.constant 1 : i32
      %swap3A_311 = arith.index_cast %swap3A_309 : i32 to index
      %swap3A_312 = arith.index_cast %swap3A_310 : i32 to index
      %swap3A_313 = arith.index_cast %scan3A_224 : i32 to index
      %swap3A_314 = arith.constant 0 : index
      %swap3A_315 = tpu.vector_load %arg7[%swap3A_311, %swap3A_312, %swap3A_313, %swap3A_314] {strides = array<i32>} : memref<2x4x50x64xf32, #tpu.memory_space<vmem>>, vector<1x1x1x16xf32>,
      %swap3A_316 = vector.shape_cast %swap3A_315 : vector<1x1x1x16xf32> to vector<16xf32>
      %swap3A_317 = vector.shape_cast %get3A_308 : vector<16xf32> to vector<1x1x1x16xf32>
      tpu.vector_store %arg7[%swap3A_311, %swap3A_312, %swap3A_313, %swap3A_314], %swap3A_317 {strides = array<i32>} : memref<2x4x50x64xf32, #tpu.memory_space<vmem>>, vector<1x1x1x16xf32>,
      %add3A_318 = arith.constant 56 : i32
      %add3A_319 = arith.addi %add3A_318, %scan3A_224 : i32
      %get3A_320 = arith.constant 0 : i32
      %get3A_321 = arith.constant 0 : i32
      %get3A_322 = arith.index_cast %get3A_320 : i32 to index
      %get3A_323 = arith.index_cast %get3A_321 : i32 to index
      %get3A_324 = arith.index_cast %add3A_319 : i32 to index
      %get3A_325 = arith.constant 16 : index
      %get3A_326 = tpu.vector_load %arg6[%get3A_322, %get3A_323, %get3A_324, %get3A_325] {strides = array<i32>} : memref<2x2x112x128xf32, #tpu.memory_space<vmem>>, vector<1x1x1x16xf32>,
      %get3A_327 = vector.shape_cast %get3A_326 : vector<1x1x1x16xf32> to vector<16xf32>
      %swap3A_328 = arith.constant 0 : i32
      %swap3A_329 = arith.constant 1 : i32
      %swap3A_330 = arith.index_cast %swap3A_328 : i32 to index
      %swap3A_331 = arith.index_cast %swap3A_329 : i32 to index
      %swap3A_332 = arith.index_cast %scan3A_224 : i32 to index
      %swap3A_333 = arith.constant 16 : index
      %swap3A_334 = tpu.vector_load %arg7[%swap3A_330, %swap3A_331, %swap3A_332, %swap3A_333] {strides = array<i32>} : memref<2x4x50x64xf32, #tpu.memory_space<vmem>>, vector<1x1x1x16xf32>,
      %swap3A_335 = vector.shape_cast %swap3A_334 : vector<1x1x1x16xf32> to vector<16xf32>
      %swap3A_336 = vector.shape_cast %get3A_327 : vector<16xf32> to vector<1x1x1x16xf32>
      tpu.vector_store %arg7[%swap3A_330, %swap3A_331, %swap3A_332, %swap3A_333], %swap3A_336 {strides = array<i32>} : memref<2x4x50x64xf32, #tpu.memory_space<vmem>>, vector<1x1x1x16xf32>,
      %add3A_337 = arith.constant 56 : i32
      %add3A_338 = arith.addi %add3A_337, %scan3A_224 : i32
      %get3A_339 = arith.constant 0 : i32
      %get3A_340 = arith.constant 0 : i32
      %get3A_341 = arith.index_cast %get3A_339 : i32 to index
      %get3A_342 = arith.index_cast %get3A_340 : i32 to index
      %get3A_343 = arith.index_cast %add3A_338 : i32 to index
      %get3A_344 = arith.constant 32 : index
      %get3A_345 = tpu.vector_load %arg6[%get3A_341, %get3A_342, %get3A_343, %get3A_344] {strides = array<i32>} : memref<2x2x112x128xf32, #tpu.memory_space<vmem>>, vector<1x1x1x16xf32>,
      %get3A_346 = vector.shape_cast %get3A_345 : vector<1x1x1x16xf32> to vector<16xf32>
      %swap3A_347 = arith.constant 0 : i32
      %swap3A_348 = arith.constant 1 : i32
      %swap3A_349 = arith.index_cast %swap3A_347 : i32 to index
      %swap3A_350 = arith.index_cast %swap3A_348 : i32 to index
      %swap3A_351 = arith.index_cast %scan3A_224 : i32 to index
      %swap3A_352 = arith.constant 32 : index
      %swap3A_353 = tpu.vector_load %arg7[%swap3A_349, %swap3A_350, %swap3A_351, %swap3A_352] {strides = array<i32>} : memref<2x4x50x64xf32, #tpu.memory_space<vmem>>, vector<1x1x1x16xf32>,
      %swap3A_354 = vector.shape_cast %swap3A_353 : vector<1x1x1x16xf32> to vector<16xf32>
      %swap3A_355 = vector.shape_cast %get3A_346 : vector<16xf32> to vector<1x1x1x16xf32>
      tpu.vector_store %arg7[%swap3A_349, %swap3A_350, %swap3A_351, %swap3A_352], %swap3A_355 {strides = array<i32>} : memref<2x4x50x64xf32, #tpu.memory_space<vmem>>, vector<1x1x1x16xf32>,
      %add3A_356 = arith.constant 56 : i32
      %add3A_357 = arith.addi %add3A_356, %scan3A_224 : i32
      %get3A_358 = arith.constant 0 : i32
      %get3A_359 = arith.constant 0 : i32
      %get3A_360 = arith.index_cast %get3A_358 : i32 to index
      %get3A_361 = arith.index_cast %get3A_359 : i32 to index
      %get3A_362 = arith.index_cast %add3A_357 : i32 to index
      %get3A_363 = arith.constant 48 : index
      %get3A_364 = tpu.vector_load %arg6[%get3A_360, %get3A_361, %get3A_362, %get3A_363] {strides = array<i32>} : memref<2x2x112x128xf32, #tpu.memory_space<vmem>>, vector<1x1x1x16xf32>,
      %get3A_365 = vector.shape_cast %get3A_364 : vector<1x1x1x16xf32> to vector<16xf32>
      %swap3A_366 = arith.constant 0 : i32
      %swap3A_367 = arith.constant 1 : i32
      %swap3A_368 = arith.index_cast %swap3A_366 : i32 to index
      %swap3A_369 = arith.index_cast %swap3A_367 : i32 to index
      %swap3A_370 = arith.index_cast %scan3A_224 : i32 to index
      %swap3A_371 = arith.constant 48 : index
      %swap3A_372 = tpu.vector_load %arg7[%swap3A_368, %swap3A_369, %swap3A_370, %swap3A_371] {strides = array<i32>} : memref<2x4x50x64xf32, #tpu.memory_space<vmem>>, vector<1x1x1x16xf32>,
      %swap3A_373 = vector.shape_cast %swap3A_372 : vector<1x1x1x16xf32> to vector<16xf32>
      %swap3A_374 = vector.shape_cast %get3A_365 : vector<16xf32> to vector<1x1x1x16xf32>
      tpu.vector_store %arg7[%swap3A_368, %swap3A_369, %swap3A_370, %swap3A_371], %swap3A_374 {strides = array<i32>} : memref<2x4x50x64xf32, #tpu.memory_space<vmem>>, vector<1x1x1x16xf32>,
      %add3A_375 = arith.constant 0 : i32
      %add3A_376 = arith.addi %add3A_375, %scan3A_224 : i32
      %get3A_377 = arith.constant 0 : i32
      %get3A_378 = arith.constant 1 : i32
      %get3A_379 = arith.index_cast %get3A_377 : i32 to index
      %get3A_380 = arith.index_cast %get3A_378 : i32 to index
      %get3A_381 = arith.index_cast %add3A_376 : i32 to index
      %get3A_382 = arith.constant 0 : index
      %get3A_383 = tpu.vector_load %arg6[%get3A_379, %get3A_380, %get3A_381, %get3A_382] {strides = array<i32>} : memref<2x2x112x128xf32, #tpu.memory_space<vmem>>, vector<1x1x1x16xf32>,
      %get3A_384 = vector.shape_cast %get3A_383 : vector<1x1x1x16xf32> to vector<16xf32>
      %swap3A_385 = arith.constant 0 : i32
      %swap3A_386 = arith.constant 2 : i32
      %swap3A_387 = arith.index_cast %swap3A_385 : i32 to index
      %swap3A_388 = arith.index_cast %swap3A_386 : i32 to index
      %swap3A_389 = arith.index_cast %scan3A_224 : i32 to index
      %swap3A_390 = arith.constant 0 : index
      %swap3A_391 = tpu.vector_load %arg7[%swap3A_387, %swap3A_388, %swap3A_389, %swap3A_390] {strides = array<i32>} : memref<2x4x50x64xf32, #tpu.memory_space<vmem>>, vector<1x1x1x16xf32>,
      %swap3A_392 = vector.shape_cast %swap3A_391 : vector<1x1x1x16xf32> to vector<16xf32>
      %swap3A_393 = vector.shape_cast %get3A_384 : vector<16xf32> to vector<1x1x1x16xf32>
      tpu.vector_store %arg7[%swap3A_387, %swap3A_388, %swap3A_389, %swap3A_390], %swap3A_393 {strides = array<i32>} : memref<2x4x50x64xf32, #tpu.memory_space<vmem>>, vector<1x1x1x16xf32>,
      %add3A_394 = arith.constant 0 : i32
      %add3A_395 = arith.addi %add3A_394, %scan3A_224 : i32
      %get3A_396 = arith.constant 0 : i32
      %get3A_397 = arith.constant 1 : i32
      %get3A_398 = arith.index_cast %get3A_396 : i32 to index
      %get3A_399 = arith.index_cast %get3A_397 : i32 to index
      %get3A_400 = arith.index_cast %add3A_395 : i32 to index
      %get3A_401 = arith.constant 16 : index
      %get3A_402 = tpu.vector_load %arg6[%get3A_398, %get3A_399, %get3A_400, %get3A_401] {strides = array<i32>} : memref<2x2x112x128xf32, #tpu.memory_space<vmem>>, vector<1x1x1x16xf32>,
      %get3A_403 = vector.shape_cast %get3A_402 : vector<1x1x1x16xf32> to vector<16xf32>
      %swap3A_404 = arith.constant 0 : i32
      %swap3A_405 = arith.constant 2 : i32
      %swap3A_406 = arith.index_cast %swap3A_404 : i32 to index
      %swap3A_407 = arith.index_cast %swap3A_405 : i32 to index
      %swap3A_408 = arith.index_cast %scan3A_224 : i32 to index
      %swap3A_409 = arith.constant 16 : index
      %swap3A_410 = tpu.vector_load %arg7[%swap3A_406, %swap3A_407, %swap3A_408, %swap3A_409] {strides = array<i32>} : memref<2x4x50x64xf32, #tpu.memory_space<vmem>>, vector<1x1x1x16xf32>,
      %swap3A_411 = vector.shape_cast %swap3A_410 : vector<1x1x1x16xf32> to vector<16xf32>
      %swap3A_412 = vector.shape_cast %get3A_403 : vector<16xf32> to vector<1x1x1x16xf32>
      tpu.vector_store %arg7[%swap3A_406, %swap3A_407, %swap3A_408, %swap3A_409], %swap3A_412 {strides = array<i32>} : memref<2x4x50x64xf32, #tpu.memory_space<vmem>>, vector<1x1x1x16xf32>,
      %add3A_413 = arith.constant 0 : i32
      %add3A_414 = arith.addi %add3A_413, %scan3A_224 : i32
      %get3A_415 = arith.constant 0 : i32
      %get3A_416 = arith.constant 1 : i32
      %get3A_417 = arith.index_cast %get3A_415 : i32 to index
      %get3A_418 = arith.index_cast %get3A_416 : i32 to index
      %get3A_419 = arith.index_cast %add3A_414 : i32 to index
      %get3A_420 = arith.constant 32 : index
      %get3A_421 = tpu.vector_load %arg6[%get3A_417, %get3A_418, %get3A_419, %get3A_420] {strides = array<i32>} : memref<2x2x112x128xf32, #tpu.memory_space<vmem>>, vector<1x1x1x16xf32>,
      %get3A_422 = vector.shape_cast %get3A_421 : vector<1x1x1x16xf32> to vector<16xf32>
      %swap3A_423 = arith.constant 0 : i32
      %swap3A_424 = arith.constant 2 : i32
      %swap3A_425 = arith.index_cast %swap3A_423 : i32 to index
      %swap3A_426 = arith.index_cast %swap3A_424 : i32 to index
      %swap3A_427 = arith.index_cast %scan3A_224 : i32 to index
      %swap3A_428 = arith.constant 32 : index
      %swap3A_429 = tpu.vector_load %arg7[%swap3A_425, %swap3A_426, %swap3A_427, %swap3A_428] {strides = array<i32>} : memref<2x4x50x64xf32, #tpu.memory_space<vmem>>, vector<1x1x1x16xf32>,
      %swap3A_430 = vector.shape_cast %swap3A_429 : vector<1x1x1x16xf32> to vector<16xf32>
      %swap3A_431 = vector.shape_cast %get3A_422 : vector<16xf32> to vector<1x1x1x16xf32>
      tpu.vector_store %arg7[%swap3A_425, %swap3A_426, %swap3A_427, %swap3A_428], %swap3A_431 {strides = array<i32>} : memref<2x4x50x64xf32, #tpu.memory_space<vmem>>, vector<1x1x1x16xf32>,
      %add3A_432 = arith.constant 0 : i32
      %add3A_433 = arith.addi %add3A_432, %scan3A_224 : i32
      %get3A_434 = arith.constant 0 : i32
      %get3A_435 = arith.constant 1 : i32
      %get3A_436 = arith.index_cast %get3A_434 : i32 to index
      %get3A_437 = arith.index_cast %get3A_435 : i32 to index
      %get3A_438 = arith.index_cast %add3A_433 : i32 to index
      %get3A_439 = arith.constant 48 : index
      %get3A_440 = tpu.vector_load %arg6[%get3A_436, %get3A_437, %get3A_438, %get3A_439] {strides = array<i32>} : memref<2x2x112x128xf32, #tpu.memory_space<vmem>>, vector<1x1x1x16xf32>,
      %get3A_441 = vector.shape_cast %get3A_440 : vector<1x1x1x16xf32> to vector<16xf32>
      %swap3A_442 = arith.constant 0 : i32
      %swap3A_443 = arith.constant 2 : i32
      %swap3A_444 = arith.index_cast %swap3A_442 : i32 to index
      %swap3A_445 = arith.index_cast %swap3A_443 : i32 to index
      %swap3A_446 = arith.index_cast %scan3A_224 : i32 to index
      %swap3A_447 = arith.constant 48 : index
      %swap3A_448 = tpu.vector_load %arg7[%swap3A_444, %swap3A_445, %swap3A_446, %swap3A_447] {strides = array<i32>} : memref<2x4x50x64xf32, #tpu.memory_space<vmem>>, vector<1x1x1x16xf32>,
      %swap3A_449 = vector.shape_cast %swap3A_448 : vector<1x1x1x16xf32> to vector<16xf32>
      %swap3A_450 = vector.shape_cast %get3A_441 : vector<16xf32> to vector<1x1x1x16xf32>
      tpu.vector_store %arg7[%swap3A_444, %swap3A_445, %swap3A_446, %swap3A_447], %swap3A_450 {strides = array<i32>} : memref<2x4x50x64xf32, #tpu.memory_space<vmem>>, vector<1x1x1x16xf32>,
      %add3A_451 = arith.constant 56 : i32
      %add3A_452 = arith.addi %add3A_451, %scan3A_224 : i32
      %get3A_453 = arith.constant 0 : i32
      %get3A_454 = arith.constant 1 : i32
      %get3A_455 = arith.index_cast %get3A_453 : i32 to index
      %get3A_456 = arith.index_cast %get3A_454 : i32 to index
      %get3A_457 = arith.index_cast %add3A_452 : i32 to index
      %get3A_458 = arith.constant 0 : index
      %get3A_459 = tpu.vector_load %arg6[%get3A_455, %get3A_456, %get3A_457, %get3A_458] {strides = array<i32>} : memref<2x2x112x128xf32, #tpu.memory_space<vmem>>, vector<1x1x1x16xf32>,
      %get3A_460 = vector.shape_cast %get3A_459 : vector<1x1x1x16xf32> to vector<16xf32>
      %swap3A_461 = arith.constant 0 : i32
      %swap3A_462 = arith.constant 3 : i32
      %swap3A_463 = arith.index_cast %swap3A_461 : i32 to index
      %swap3A_464 = arith.index_cast %swap3A_462 : i32 to index
      %swap3A_465 = arith.index_cast %scan3A_224 : i32 to index
      %swap3A_466 = arith.constant 0 : index
      %swap3A_467 = tpu.vector_load %arg7[%swap3A_463, %swap3A_464, %swap3A_465, %swap3A_466] {strides = array<i32>} : memref<2x4x50x64xf32, #tpu.memory_space<vmem>>, vector<1x1x1x16xf32>,
      %swap3A_468 = vector.shape_cast %swap3A_467 : vector<1x1x1x16xf32> to vector<16xf32>
      %swap3A_469 = vector.shape_cast %get3A_460 : vector<16xf32> to vector<1x1x1x16xf32>
      tpu.vector_store %arg7[%swap3A_463, %swap3A_464, %swap3A_465, %swap3A_466], %swap3A_469 {strides = array<i32>} : memref<2x4x50x64xf32, #tpu.memory_space<vmem>>, vector<1x1x1x16xf32>,
      %add3A_470 = arith.constant 56 : i32
      %add3A_471 = arith.addi %add3A_470, %scan3A_224 : i32
      %get3A_472 = arith.constant 0 : i32
      %get3A_473 = arith.constant 1 : i32
      %get3A_474 = arith.index_cast %get3A_472 : i32 to index
      %get3A_475 = arith.index_cast %get3A_473 : i32 to index
      %get3A_476 = arith.index_cast %add3A_471 : i32 to index
      %get3A_477 = arith.constant 16 : index
      %get3A_478 = tpu.vector_load %arg6[%get3A_474, %get3A_475, %get3A_476, %get3A_477] {strides = array<i32>} : memref<2x2x112x128xf32, #tpu.memory_space<vmem>>, vector<1x1x1x16xf32>,
      %get3A_479 = vector.shape_cast %get3A_478 : vector<1x1x1x16xf32> to vector<16xf32>
      %swap3A_480 = arith.constant 0 : i32
      %swap3A_481 = arith.constant 3 : i32
      %swap3A_482 = arith.index_cast %swap3A_480 : i32 to index
      %swap3A_483 = arith.index_cast %swap3A_481 : i32 to index
      %swap3A_484 = arith.index_cast %scan3A_224 : i32 to index
      %swap3A_485 = arith.constant 16 : index
      %swap3A_486 = tpu.vector_load %arg7[%swap3A_482, %swap3A_483, %swap3A_484, %swap3A_485] {strides = array<i32>} : memref<2x4x50x64xf32, #tpu.memory_space<vmem>>, vector<1x1x1x16xf32>,
      %swap3A_487 = vector.shape_cast %swap3A_486 : vector<1x1x1x16xf32> to vector<16xf32>
      %swap3A_488 = vector.shape_cast %get3A_479 : vector<16xf32> to vector<1x1x1x16xf32>
      tpu.vector_store %arg7[%swap3A_482, %swap3A_483, %swap3A_484, %swap3A_485], %swap3A_488 {strides = array<i32>} : memref<2x4x50x64xf32, #tpu.memory_space<vmem>>, vector<1x1x1x16xf32>,
      %add3A_489 = arith.constant 56 : i32
      %add3A_490 = arith.addi %add3A_489, %scan3A_224 : i32
      %get3A_491 = arith.constant 0 : i32
      %get3A_492 = arith.constant 1 : i32
      %get3A_493 = arith.index_cast %get3A_491 : i32 to index
      %get3A_494 = arith.index_cast %get3A_492 : i32 to index
      %get3A_495 = arith.index_cast %add3A_490 : i32 to index
      %get3A_496 = arith.constant 32 : index
      %get3A_497 = tpu.vector_load %arg6[%get3A_493, %get3A_494, %get3A_495, %get3A_496] {strides = array<i32>} : memref<2x2x112x128xf32, #tpu.memory_space<vmem>>, vector<1x1x1x16xf32>,
      %get3A_498 = vector.shape_cast %get3A_497 : vector<1x1x1x16xf32> to vector<16xf32>
      %swap3A_499 = arith.constant 0 : i32
      %swap3A_500 = arith.constant 3 : i32
      %swap3A_501 = arith.index_cast %swap3A_499 : i32 to index
      %swap3A_502 = arith.index_cast %swap3A_500 : i32 to index
      %swap3A_503 = arith.index_cast %scan3A_224 : i32 to index
      %swap3A_504 = arith.constant 32 : index
      %swap3A_505 = tpu.vector_load %arg7[%swap3A_501, %swap3A_502, %swap3A_503, %swap3A_504] {strides = array<i32>} : memref<2x4x50x64xf32, #tpu.memory_space<vmem>>, vector<1x1x1x16xf32>,
      %swap3A_506 = vector.shape_cast %swap3A_505 : vector<1x1x1x16xf32> to vector<16xf32>
      %swap3A_507 = vector.shape_cast %get3A_498 : vector<16xf32> to vector<1x1x1x16xf32>
      tpu.vector_store %arg7[%swap3A_501, %swap3A_502, %swap3A_503, %swap3A_504], %swap3A_507 {strides = array<i32>} : memref<2x4x50x64xf32, #tpu.memory_space<vmem>>, vector<1x1x1x16xf32>,
      %add3A_508 = arith.constant 56 : i32
      %add3A_509 = arith.addi %add3A_508, %scan3A_224 : i32
      %get3A_510 = arith.constant 0 : i32
      %get3A_511 = arith.constant 1 : i32
      %get3A_512 = arith.index_cast %get3A_510 : i32 to index
      %get3A_513 = arith.index_cast %get3A_511 : i32 to index
      %get3A_514 = arith.index_cast %add3A_509 : i32 to index
      %get3A_515 = arith.constant 48 : index
      %get3A_516 = tpu.vector_load %arg6[%get3A_512, %get3A_513, %get3A_514, %get3A_515] {strides = array<i32>} : memref<2x2x112x128xf32, #tpu.memory_space<vmem>>, vector<1x1x1x16xf32>,
      %get3A_517 = vector.shape_cast %get3A_516 : vector<1x1x1x16xf32> to vector<16xf32>
      %swap3A_518 = arith.constant 0 : i32
      %swap3A_519 = arith.constant 3 : i32
      %swap3A_520 = arith.index_cast %swap3A_518 : i32 to index
      %swap3A_521 = arith.index_cast %swap3A_519 : i32 to index
      %swap3A_522 = arith.index_cast %scan3A_224 : i32 to index
      %swap3A_523 = arith.constant 48 : index
      %swap3A_524 = tpu.vector_load %arg7[%swap3A_520, %swap3A_521, %swap3A_522, %swap3A_523] {strides = array<i32>} : memref<2x4x50x64xf32, #tpu.memory_space<vmem>>, vector<1x1x1x16xf32>,
      %swap3A_525 = vector.shape_cast %swap3A_524 : vector<1x1x1x16xf32> to vector<16xf32>
      %swap3A_526 = vector.shape_cast %get3A_517 : vector<16xf32> to vector<1x1x1x16xf32>
      tpu.vector_store %arg7[%swap3A_520, %swap3A_521, %swap3A_522, %swap3A_523], %swap3A_526 {strides = array<i32>} : memref<2x4x50x64xf32, #tpu.memory_space<vmem>>, vector<1x1x1x16xf32>,
    }
    %scan3A_109 = arith.constant 50 : i32
    %add3A_110 = arith.constant 120 : i32
    %add3A_111 = arith.addi %mul3A_2, %add3A_110 : i32
    %dma_start3A_112 = arith.constant 0 : i32
    %dma_start3A_113 = arith.constant 0 : i32
    %dma_start3A_114 = arith.constant 0 : i32
    %dma_start3A_115 = arith.constant 0 : i32
    %dma_start3A_116 = tpu.memref_slice %arg7[%dma_start3A_112, %dma_start3A_113, %dma_start3A_114, %dma_start3A_115] : memref<2x4x50x64xf32, #tpu.memory_space<vmem>> -> memref<1x4x50x64xf32, #tpu.memory_space<vmem>>
    %dma_start3A_117 = tpu.memref_squeeze %dma_start3A_116 : memref<1x4x50x64xf32, #tpu.memory_space<vmem>> -> memref<4x50x64xf32, #tpu.memory_space<vmem>>
    %dma_start3A_118 = arith.constant 0 : i32
    %dma_start3A_119 = arith.constant 0 : i32
    %dma_start3A_120 = tpu.memref_slice %arg4[%add3A_111, %dma_start3A_118, %dma_start3A_119] : memref<4096x50x64xf32, #tpu.memory_space<hbm>> -> memref<4x50x64xf32, #tpu.memory_space<hbm>>
    %dma_start3A_121 = arith.constant 0 : i32
    %dma_start3A_122 = arith.constant 0 : i32
    %dma_start3A_123 = tpu.memref_slice %arg4[%add3A_111, %dma_start3A_121, %dma_start3A_122] : memref<4096x50x64xf32, #tpu.memory_space<hbm>> -> memref<4x50x64xf32, #tpu.memory_space<hbm>>
    %dma_start3A_124 = arith.constant 0 : i32
    %dma_start3A_125 = arith.constant 0 : i32
    %dma_start3A_126 = arith.constant 0 : i32
    %dma_start3A_127 = tpu.memref_slice %arg7[%dma_start3A_112, %dma_start3A_124, %dma_start3A_125, %dma_start3A_126] : memref<2x4x50x64xf32, #tpu.memory_space<vmem>> -> memref<1x4x50x64xf32, #tpu.memory_space<vmem>>
    %dma_start3A_128 = tpu.memref_squeeze %dma_start3A_127 : memref<1x4x50x64xf32, #tpu.memory_space<vmem>> -> memref<4x50x64xf32, #tpu.memory_space<vmem>>
    tpu.enqueue_dma source(%dma_start3A_128 : memref<4x50x64xf32, #tpu.memory_space<vmem>>) target(%dma_start3A_123 : memref<4x50x64xf32, #tpu.memory_space<hbm>>) target_semaphore(%arg10 : memref<!tpu.dma_semaphore, #tpu.memory_space<semaphore_mem>>)
    %add3A_129 = arith.constant 120 : i32
    %add3A_130 = arith.addi %mul3A_2, %add3A_129 : i32
    %dma_wait3A_131 = arith.constant 0 : i32
    %dma_wait3A_132 = arith.constant 0 : i32
    %dma_wait3A_133 = arith.constant 0 : i32
    %dma_wait3A_134 = arith.constant 0 : i32
    %dma_wait3A_135 = tpu.memref_slice %arg7[%dma_wait3A_131, %dma_wait3A_132, %dma_wait3A_133, %dma_wait3A_134] : memref<2x4x50x64xf32, #tpu.memory_space<vmem>> -> memref<1x4x50x64xf32, #tpu.memory_space<vmem>>
    %dma_wait3A_136 = tpu.memref_squeeze %dma_wait3A_135 : memref<1x4x50x64xf32, #tpu.memory_space<vmem>> -> memref<4x50x64xf32, #tpu.memory_space<vmem>>
    %dma_wait3A_137 = arith.constant 0 : i32
    %dma_wait3A_138 = arith.constant 0 : i32
    %dma_wait3A_139 = tpu.memref_slice %arg4[%add3A_130, %dma_wait3A_137, %dma_wait3A_138] : memref<4096x50x64xf32, #tpu.memory_space<hbm>> -> memref<4x50x64xf32, #tpu.memory_space<hbm>>
    %dma_wait3A_140 = arith.constant 0 : i32
    %dma_wait3A_141 = arith.constant 0 : i32
    %dma_wait3A_142 = tpu.memref_slice %arg4[%add3A_130, %dma_wait3A_140, %dma_wait3A_141] : memref<4096x50x64xf32, #tpu.memory_space<hbm>> -> memref<4x50x64xf32, #tpu.memory_space<hbm>>
    %dma_wait3A_143 = arith.constant 0 : i32
    %dma_wait3A_144 = arith.constant 0 : i32
    %dma_wait3A_145 = arith.constant 0 : i32
    %dma_wait3A_146 = tpu.memref_slice %arg7[%dma_wait3A_131, %dma_wait3A_143, %dma_wait3A_144, %dma_wait3A_145] : memref<2x4x50x64xf32, #tpu.memory_space<vmem>> -> memref<1x4x50x64xf32, #tpu.memory_space<vmem>>
    %dma_wait3A_147 = tpu.memref_squeeze %dma_wait3A_146 : memref<1x4x50x64xf32, #tpu.memory_space<vmem>> -> memref<4x50x64xf32, #tpu.memory_space<vmem>>
    tpu.wait_dma2 semaphore(%arg10 : memref<!tpu.dma_semaphore, #tpu.memory_space<semaphore_mem>>) src(%dma_wait3A_147 : memref<4x50x64xf32, #tpu.memory_space<vmem>>) dst(%dma_wait3A_142 : memref<4x50x64xf32, #tpu.memory_space<hbm>>)
    %dma_wait3A_148 = arith.constant 1 : i32
    %dma_wait3A_149 = arith.constant 0 : i32
    %dma_wait3A_150 = arith.constant 0 : i32
    %dma_wait3A_151 = arith.constant 0 : i32
    %dma_wait3A_152 = arith.constant 0 : i32
    %dma_wait3A_153 = tpu.memref_slice %arg6[%dma_wait3A_148, %dma_wait3A_150, %dma_wait3A_151, %dma_wait3A_152] : memref<2x2x112x128xf32, #tpu.memory_space<vmem>> -> memref<1x2x112x128xf32, #tpu.memory_space<vmem>>
    %dma_wait3A_154 = tpu.memref_squeeze %dma_wait3A_153 : memref<1x2x112x128xf32, #tpu.memory_space<vmem>> -> memref<2x112x128xf32, #tpu.memory_space<vmem>>
    %dma_wait3A_155 = arith.constant 0 : i32
    %dma_wait3A_156 = arith.constant 0 : i32
    %dma_wait3A_157 = tpu.memref_slice %dma_wait3A_154[%dma_wait3A_149, %dma_wait3A_155, %dma_wait3A_156] : memref<2x112x128xf32, #tpu.memory_space<vmem>> -> memref<1x112x128xf32, #tpu.memory_space<vmem>>
    %dma_wait3A_158 = tpu.memref_squeeze %dma_wait3A_157 : memref<1x112x128xf32, #tpu.memory_space<vmem>> -> memref<112x128xf32, #tpu.memory_space<vmem>>
    %dma_wait3A_159 = arith.constant 6944 : i32
    %dma_wait3A_160 = tpu.memref_slice %arg5[%dma_wait3A_159] : memref<7168xi32, #tpu.memory_space<vmem>> -> memref<112xi32, #tpu.memory_space<vmem>>
    %dma_wait3A_161 = arith.constant 0 : i32
    %dma_wait3A_162 = arith.constant 0 : i32
    %dma_wait3A_163 = tpu.memref_slice %arg2[%dma_wait3A_161, %dma_wait3A_162] : memref<100001x128xf32, #tpu.memory_space<hbm>> -> memref<100001x128xf32, #tpu.memory_space<hbm>>
    tpu.wait_indirect_dma semaphore(%arg9 : memref<!tpu.dma_semaphore, #tpu.memory_space<semaphore_mem>>) src(%dma_wait3A_163 : memref<100001x128xf32, #tpu.memory_space<hbm>>) dst(%dma_wait3A_158 : memref<112x128xf32, #tpu.memory_space<vmem>>)
    %dma_wait3A_164 = arith.constant 1 : i32
    %dma_wait3A_165 = arith.constant 1 : i32
    %dma_wait3A_166 = arith.constant 0 : i32
    %dma_wait3A_167 = arith.constant 0 : i32
    %dma_wait3A_168 = arith.constant 0 : i32
    %dma_wait3A_169 = tpu.memref_slice %arg6[%dma_wait3A_164, %dma_wait3A_166, %dma_wait3A_167, %dma_wait3A_168] : memref<2x2x112x128xf32, #tpu.memory_space<vmem>> -> memref<1x2x112x128xf32, #tpu.memory_space<vmem>>
    %dma_wait3A_170 = tpu.memref_squeeze %dma_wait3A_169 : memref<1x2x112x128xf32, #tpu.memory_space<vmem>> -> memref<2x112x128xf32, #tpu.memory_space<vmem>>
    %dma_wait3A_171 = arith.constant 0 : i32
    %dma_wait3A_172 = arith.constant 0 : i32
    %dma_wait3A_173 = tpu.memref_slice %dma_wait3A_170[%dma_wait3A_165, %dma_wait3A_171, %dma_wait3A_172] : memref<2x112x128xf32, #tpu.memory_space<vmem>> -> memref<1x112x128xf32, #tpu.memory_space<vmem>>
    %dma_wait3A_174 = tpu.memref_squeeze %dma_wait3A_173 : memref<1x112x128xf32, #tpu.memory_space<vmem>> -> memref<112x128xf32, #tpu.memory_space<vmem>>
    %dma_wait3A_175 = arith.constant 7056 : i32
    %dma_wait3A_176 = tpu.memref_slice %arg5[%dma_wait3A_175] : memref<7168xi32, #tpu.memory_space<vmem>> -> memref<112xi32, #tpu.memory_space<vmem>>
    %dma_wait3A_177 = arith.constant 0 : i32
    %dma_wait3A_178 = arith.constant 0 : i32
    %dma_wait3A_179 = tpu.memref_slice %arg2[%dma_wait3A_177, %dma_wait3A_178] : memref<100001x128xf32, #tpu.memory_space<hbm>> -> memref<100001x128xf32, #tpu.memory_space<hbm>>
    tpu.wait_indirect_dma semaphore(%arg9 : memref<!tpu.dma_semaphore, #tpu.memory_space<semaphore_mem>>) src(%dma_wait3A_179 : memref<100001x128xf32, #tpu.memory_space<hbm>>) dst(%dma_wait3A_174 : memref<112x128xf32, #tpu.memory_space<vmem>>)
    %scan3A_180 = arith.constant 0 : i32
    %scan3A_181 = arith.constant 0 : i32
    %scan3A_182 = arith.constant 50 : i32
    %scan3A_183 = arith.addi %scan3A_181, %scan3A_182 : i32
    %scan3A_184 = arith.constant 1 : i32
    scf.for %scan3A_224 = %scan3A_181 to %scan3A_183 step %scan3A_184  : i32 {
      %add3A_225 = arith.constant 0 : i32
      %add3A_226 = arith.addi %add3A_225, %scan3A_224 : i32
      %get3A = arith.constant 1 : i32
      %get3A_227 = arith.constant 0 : i32
      %get3A_228 = arith.index_cast %get3A : i32 to index
      %get3A_229 = arith.index_cast %get3A_227 : i32 to index
      %get3A_230 = arith.index_cast %add3A_226 : i32 to index
      %get3A_231 = arith.constant 0 : index
      %get3A_232 = tpu.vector_load %arg6[%get3A_228, %get3A_229, %get3A_230, %get3A_231] {strides = array<i32>} : memref<2x2x112x128xf32, #tpu.memory_space<vmem>>, vector<1x1x1x16xf32>,
      %get3A_233 = vector.shape_cast %get3A_232 : vector<1x1x1x16xf32> to vector<16xf32>
      %swap3A = arith.constant 1 : i32
      %swap3A_234 = arith.constant 0 : i32
      %swap3A_235 = arith.index_cast %swap3A : i32 to index
      %swap3A_236 = arith.index_cast %swap3A_234 : i32 to index
      %swap3A_237 = arith.index_cast %scan3A_224 : i32 to index
      %swap3A_238 = arith.constant 0 : index
      %swap3A_239 = tpu.vector_load %arg7[%swap3A_235, %swap3A_236, %swap3A_237, %swap3A_238] {strides = array<i32>} : memref<2x4x50x64xf32, #tpu.memory_space<vmem>>, vector<1x1x1x16xf32>,
      %swap3A_240 = vector.shape_cast %swap3A_239 : vector<1x1x1x16xf32> to vector<16xf32>
      %swap3A_241 = vector.shape_cast %get3A_233 : vector<16xf32> to vector<1x1x1x16xf32>
      tpu.vector_store %arg7[%swap3A_235, %swap3A_236, %swap3A_237, %swap3A_238], %swap3A_241 {strides = array<i32>} : memref<2x4x50x64xf32, #tpu.memory_space<vmem>>, vector<1x1x1x16xf32>,
      %add3A_242 = arith.constant 0 : i32
      %add3A_243 = arith.addi %add3A_242, %scan3A_224 : i32
      %get3A_244 = arith.constant 1 : i32
      %get3A_245 = arith.constant 0 : i32
      %get3A_246 = arith.index_cast %get3A_244 : i32 to index
      %get3A_247 = arith.index_cast %get3A_245 : i32 to index
      %get3A_248 = arith.index_cast %add3A_243 : i32 to index
      %get3A_249 = arith.constant 16 : index
      %get3A_250 = tpu.vector_load %arg6[%get3A_246, %get3A_247, %get3A_248, %get3A_249] {strides = array<i32>} : memref<2x2x112x128xf32, #tpu.memory_space<vmem>>, vector<1x1x1x16xf32>,
      %get3A_251 = vector.shape_cast %get3A_250 : vector<1x1x1x16xf32> to vector<16xf32>
      %swap3A_252 = arith.constant 1 : i32
      %swap3A_253 = arith.constant 0 : i32
      %swap3A_254 = arith.index_cast %swap3A_252 : i32 to index
      %swap3A_255 = arith.index_cast %swap3A_253 : i32 to index
      %swap3A_256 = arith.index_cast %scan3A_224 : i32 to index
      %swap3A_257 = arith.constant 16 : index
      %swap3A_258 = tpu.vector_load %arg7[%swap3A_254, %swap3A_255, %swap3A_256, %swap3A_257] {strides = array<i32>} : memref<2x4x50x64xf32, #tpu.memory_space<vmem>>, vector<1x1x1x16xf32>,
      %swap3A_259 = vector.shape_cast %swap3A_258 : vector<1x1x1x16xf32> to vector<16xf32>
      %swap3A_260 = vector.shape_cast %get3A_251 : vector<16xf32> to vector<1x1x1x16xf32>
      tpu.vector_store %arg7[%swap3A_254, %swap3A_255, %swap3A_256, %swap3A_257], %swap3A_260 {strides = array<i32>} : memref<2x4x50x64xf32, #tpu.memory_space<vmem>>, vector<1x1x1x16xf32>,
      %add3A_261 = arith.constant 0 : i32
      %add3A_262 = arith.addi %add3A_261, %scan3A_224 : i32
      %get3A_263 = arith.constant 1 : i32
      %get3A_264 = arith.constant 0 : i32
      %get3A_265 = arith.index_cast %get3A_263 : i32 to index
      %get3A_266 = arith.index_cast %get3A_264 : i32 to index
      %get3A_267 = arith.index_cast %add3A_262 : i32 to index
      %get3A_268 = arith.constant 32 : index
      %get3A_269 = tpu.vector_load %arg6[%get3A_265, %get3A_266, %get3A_267, %get3A_268] {strides = array<i32>} : memref<2x2x112x128xf32, #tpu.memory_space<vmem>>, vector<1x1x1x16xf32>,
      %get3A_270 = vector.shape_cast %get3A_269 : vector<1x1x1x16xf32> to vector<16xf32>
      %swap3A_271 = arith.constant 1 : i32
      %swap3A_272 = arith.constant 0 : i32
      %swap3A_273 = arith.index_cast %swap3A_271 : i32 to index
      %swap3A_274 = arith.index_cast %swap3A_272 : i32 to index
      %swap3A_275 = arith.index_cast %scan3A_224 : i32 to index
      %swap3A_276 = arith.constant 32 : index
      %swap3A_277 = tpu.vector_load %arg7[%swap3A_273, %swap3A_274, %swap3A_275, %swap3A_276] {strides = array<i32>} : memref<2x4x50x64xf32, #tpu.memory_space<vmem>>, vector<1x1x1x16xf32>,
      %swap3A_278 = vector.shape_cast %swap3A_277 : vector<1x1x1x16xf32> to vector<16xf32>
      %swap3A_279 = vector.shape_cast %get3A_270 : vector<16xf32> to vector<1x1x1x16xf32>
      tpu.vector_store %arg7[%swap3A_273, %swap3A_274, %swap3A_275, %swap3A_276], %swap3A_279 {strides = array<i32>} : memref<2x4x50x64xf32, #tpu.memory_space<vmem>>, vector<1x1x1x16xf32>,
      %add3A_280 = arith.constant 0 : i32
      %add3A_281 = arith.addi %add3A_280, %scan3A_224 : i32
      %get3A_282 = arith.constant 1 : i32
      %get3A_283 = arith.constant 0 : i32
      %get3A_284 = arith.index_cast %get3A_282 : i32 to index
      %get3A_285 = arith.index_cast %get3A_283 : i32 to index
      %get3A_286 = arith.index_cast %add3A_281 : i32 to index
      %get3A_287 = arith.constant 48 : index
      %get3A_288 = tpu.vector_load %arg6[%get3A_284, %get3A_285, %get3A_286, %get3A_287] {strides = array<i32>} : memref<2x2x112x128xf32, #tpu.memory_space<vmem>>, vector<1x1x1x16xf32>,
      %get3A_289 = vector.shape_cast %get3A_288 : vector<1x1x1x16xf32> to vector<16xf32>
      %swap3A_290 = arith.constant 1 : i32
      %swap3A_291 = arith.constant 0 : i32
      %swap3A_292 = arith.index_cast %swap3A_290 : i32 to index
      %swap3A_293 = arith.index_cast %swap3A_291 : i32 to index
      %swap3A_294 = arith.index_cast %scan3A_224 : i32 to index
      %swap3A_295 = arith.constant 48 : index
      %swap3A_296 = tpu.vector_load %arg7[%swap3A_292, %swap3A_293, %swap3A_294, %swap3A_295] {strides = array<i32>} : memref<2x4x50x64xf32, #tpu.memory_space<vmem>>, vector<1x1x1x16xf32>,
      %swap3A_297 = vector.shape_cast %swap3A_296 : vector<1x1x1x16xf32> to vector<16xf32>
      %swap3A_298 = vector.shape_cast %get3A_289 : vector<16xf32> to vector<1x1x1x16xf32>
      tpu.vector_store %arg7[%swap3A_292, %swap3A_293, %swap3A_294, %swap3A_295], %swap3A_298 {strides = array<i32>} : memref<2x4x50x64xf32, #tpu.memory_space<vmem>>, vector<1x1x1x16xf32>,
      %add3A_299 = arith.constant 56 : i32
      %add3A_300 = arith.addi %add3A_299, %scan3A_224 : i32
      %get3A_301 = arith.constant 1 : i32
      %get3A_302 = arith.constant 0 : i32
      %get3A_303 = arith.index_cast %get3A_301 : i32 to index
      %get3A_304 = arith.index_cast %get3A_302 : i32 to index
      %get3A_305 = arith.index_cast %add3A_300 : i32 to index
      %get3A_306 = arith.constant 0 : index
      %get3A_307 = tpu.vector_load %arg6[%get3A_303, %get3A_304, %get3A_305, %get3A_306] {strides = array<i32>} : memref<2x2x112x128xf32, #tpu.memory_space<vmem>>, vector<1x1x1x16xf32>,
      %get3A_308 = vector.shape_cast %get3A_307 : vector<1x1x1x16xf32> to vector<16xf32>
      %swap3A_309 = arith.constant 1 : i32
      %swap3A_310 = arith.constant 1 : i32
      %swap3A_311 = arith.index_cast %swap3A_309 : i32 to index
      %swap3A_312 = arith.index_cast %swap3A_310 : i32 to index
      %swap3A_313 = arith.index_cast %scan3A_224 : i32 to index
      %swap3A_314 = arith.constant 0 : index
      %swap3A_315 = tpu.vector_load %arg7[%swap3A_311, %swap3A_312, %swap3A_313, %swap3A_314] {strides = array<i32>} : memref<2x4x50x64xf32, #tpu.memory_space<vmem>>, vector<1x1x1x16xf32>,
      %swap3A_316 = vector.shape_cast %swap3A_315 : vector<1x1x1x16xf32> to vector<16xf32>
      %swap3A_317 = vector.shape_cast %get3A_308 : vector<16xf32> to vector<1x1x1x16xf32>
      tpu.vector_store %arg7[%swap3A_311, %swap3A_312, %swap3A_313, %swap3A_314], %swap3A_317 {strides = array<i32>} : memref<2x4x50x64xf32, #tpu.memory_space<vmem>>, vector<1x1x1x16xf32>,
      %add3A_318 = arith.constant 56 : i32
      %add3A_319 = arith.addi %add3A_318, %scan3A_224 : i32
      %get3A_320 = arith.constant 1 : i32
      %get3A_321 = arith.constant 0 : i32
      %get3A_322 = arith.index_cast %get3A_320 : i32 to index
      %get3A_323 = arith.index_cast %get3A_321 : i32 to index
      %get3A_324 = arith.index_cast %add3A_319 : i32 to index
      %get3A_325 = arith.constant 16 : index
      %get3A_326 = tpu.vector_load %arg6[%get3A_322, %get3A_323, %get3A_324, %get3A_325] {strides = array<i32>} : memref<2x2x112x128xf32, #tpu.memory_space<vmem>>, vector<1x1x1x16xf32>,
      %get3A_327 = vector.shape_cast %get3A_326 : vector<1x1x1x16xf32> to vector<16xf32>
      %swap3A_328 = arith.constant 1 : i32
      %swap3A_329 = arith.constant 1 : i32
      %swap3A_330 = arith.index_cast %swap3A_328 : i32 to index
      %swap3A_331 = arith.index_cast %swap3A_329 : i32 to index
      %swap3A_332 = arith.index_cast %scan3A_224 : i32 to index
      %swap3A_333 = arith.constant 16 : index
      %swap3A_334 = tpu.vector_load %arg7[%swap3A_330, %swap3A_331, %swap3A_332, %swap3A_333] {strides = array<i32>} : memref<2x4x50x64xf32, #tpu.memory_space<vmem>>, vector<1x1x1x16xf32>,
      %swap3A_335 = vector.shape_cast %swap3A_334 : vector<1x1x1x16xf32> to vector<16xf32>
      %swap3A_336 = vector.shape_cast %get3A_327 : vector<16xf32> to vector<1x1x1x16xf32>
      tpu.vector_store %arg7[%swap3A_330, %swap3A_331, %swap3A_332, %swap3A_333], %swap3A_336 {strides = array<i32>} : memref<2x4x50x64xf32, #tpu.memory_space<vmem>>, vector<1x1x1x16xf32>,
      %add3A_337 = arith.constant 56 : i32
      %add3A_338 = arith.addi %add3A_337, %scan3A_224 : i32
      %get3A_339 = arith.constant 1 : i32
      %get3A_340 = arith.constant 0 : i32
      %get3A_341 = arith.index_cast %get3A_339 : i32 to index
      %get3A_342 = arith.index_cast %get3A_340 : i32 to index
      %get3A_343 = arith.index_cast %add3A_338 : i32 to index
      %get3A_344 = arith.constant 32 : index
      %get3A_345 = tpu.vector_load %arg6[%get3A_341, %get3A_342, %get3A_343, %get3A_344] {strides = array<i32>} : memref<2x2x112x128xf32, #tpu.memory_space<vmem>>, vector<1x1x1x16xf32>,
      %get3A_346 = vector.shape_cast %get3A_345 : vector<1x1x1x16xf32> to vector<16xf32>
      %swap3A_347 = arith.constant 1 : i32
      %swap3A_348 = arith.constant 1 : i32
      %swap3A_349 = arith.index_cast %swap3A_347 : i32 to index
      %swap3A_350 = arith.index_cast %swap3A_348 : i32 to index
      %swap3A_351 = arith.index_cast %scan3A_224 : i32 to index
      %swap3A_352 = arith.constant 32 : index
      %swap3A_353 = tpu.vector_load %arg7[%swap3A_349, %swap3A_350, %swap3A_351, %swap3A_352] {strides = array<i32>} : memref<2x4x50x64xf32, #tpu.memory_space<vmem>>, vector<1x1x1x16xf32>,
      %swap3A_354 = vector.shape_cast %swap3A_353 : vector<1x1x1x16xf32> to vector<16xf32>
      %swap3A_355 = vector.shape_cast %get3A_346 : vector<16xf32> to vector<1x1x1x16xf32>
      tpu.vector_store %arg7[%swap3A_349, %swap3A_350, %swap3A_351, %swap3A_352], %swap3A_355 {strides = array<i32>} : memref<2x4x50x64xf32, #tpu.memory_space<vmem>>, vector<1x1x1x16xf32>,
      %add3A_356 = arith.constant 56 : i32
      %add3A_357 = arith.addi %add3A_356, %scan3A_224 : i32
      %get3A_358 = arith.constant 1 : i32
      %get3A_359 = arith.constant 0 : i32
      %get3A_360 = arith.index_cast %get3A_358 : i32 to index
      %get3A_361 = arith.index_cast %get3A_359 : i32 to index
      %get3A_362 = arith.index_cast %add3A_357 : i32 to index
      %get3A_363 = arith.constant 48 : index
      %get3A_364 = tpu.vector_load %arg6[%get3A_360, %get3A_361, %get3A_362, %get3A_363] {strides = array<i32>} : memref<2x2x112x128xf32, #tpu.memory_space<vmem>>, vector<1x1x1x16xf32>,
      %get3A_365 = vector.shape_cast %get3A_364 : vector<1x1x1x16xf32> to vector<16xf32>
      %swap3A_366 = arith.constant 1 : i32
      %swap3A_367 = arith.constant 1 : i32
      %swap3A_368 = arith.index_cast %swap3A_366 : i32 to index
      %swap3A_369 = arith.index_cast %swap3A_367 : i32 to index
      %swap3A_370 = arith.index_cast %scan3A_224 : i32 to index
      %swap3A_371 = arith.constant 48 : index
      %swap3A_372 = tpu.vector_load %arg7[%swap3A_368, %swap3A_369, %swap3A_370, %swap3A_371] {strides = array<i32>} : memref<2x4x50x64xf32, #tpu.memory_space<vmem>>, vector<1x1x1x16xf32>,
      %swap3A_373 = vector.shape_cast %swap3A_372 : vector<1x1x1x16xf32> to vector<16xf32>
      %swap3A_374 = vector.shape_cast %get3A_365 : vector<16xf32> to vector<1x1x1x16xf32>
      tpu.vector_store %arg7[%swap3A_368, %swap3A_369, %swap3A_370, %swap3A_371], %swap3A_374 {strides = array<i32>} : memref<2x4x50x64xf32, #tpu.memory_space<vmem>>, vector<1x1x1x16xf32>,
      %add3A_375 = arith.constant 0 : i32
      %add3A_376 = arith.addi %add3A_375, %scan3A_224 : i32
      %get3A_377 = arith.constant 1 : i32
      %get3A_378 = arith.constant 1 : i32
      %get3A_379 = arith.index_cast %get3A_377 : i32 to index
      %get3A_380 = arith.index_cast %get3A_378 : i32 to index
      %get3A_381 = arith.index_cast %add3A_376 : i32 to index
      %get3A_382 = arith.constant 0 : index
      %get3A_383 = tpu.vector_load %arg6[%get3A_379, %get3A_380, %get3A_381, %get3A_382] {strides = array<i32>} : memref<2x2x112x128xf32, #tpu.memory_space<vmem>>, vector<1x1x1x16xf32>,
      %get3A_384 = vector.shape_cast %get3A_383 : vector<1x1x1x16xf32> to vector<16xf32>
      %swap3A_385 = arith.constant 1 : i32
      %swap3A_386 = arith.constant 2 : i32
      %swap3A_387 = arith.index_cast %swap3A_385 : i32 to index
      %swap3A_388 = arith.index_cast %swap3A_386 : i32 to index
      %swap3A_389 = arith.index_cast %scan3A_224 : i32 to index
      %swap3A_390 = arith.constant 0 : index
      %swap3A_391 = tpu.vector_load %arg7[%swap3A_387, %swap3A_388, %swap3A_389, %swap3A_390] {strides = array<i32>} : memref<2x4x50x64xf32, #tpu.memory_space<vmem>>, vector<1x1x1x16xf32>,
      %swap3A_392 = vector.shape_cast %swap3A_391 : vector<1x1x1x16xf32> to vector<16xf32>
      %swap3A_393 = vector.shape_cast %get3A_384 : vector<16xf32> to vector<1x1x1x16xf32>
      tpu.vector_store %arg7[%swap3A_387, %swap3A_388, %swap3A_389, %swap3A_390], %swap3A_393 {strides = array<i32>} : memref<2x4x50x64xf32, #tpu.memory_space<vmem>>, vector<1x1x1x16xf32>,
      %add3A_394 = arith.constant 0 : i32
      %add3A_395 = arith.addi %add3A_394, %scan3A_224 : i32
      %get3A_396 = arith.constant 1 : i32
      %get3A_397 = arith.constant 1 : i32
      %get3A_398 = arith.index_cast %get3A_396 : i32 to index
      %get3A_399 = arith.index_cast %get3A_397 : i32 to index
      %get3A_400 = arith.index_cast %add3A_395 : i32 to index
      %get3A_401 = arith.constant 16 : index
      %get3A_402 = tpu.vector_load %arg6[%get3A_398, %get3A_399, %get3A_400, %get3A_401] {strides = array<i32>} : memref<2x2x112x128xf32, #tpu.memory_space<vmem>>, vector<1x1x1x16xf32>,
      %get3A_403 = vector.shape_cast %get3A_402 : vector<1x1x1x16xf32> to vector<16xf32>
      %swap3A_404 = arith.constant 1 : i32
      %swap3A_405 = arith.constant 2 : i32
      %swap3A_406 = arith.index_cast %swap3A_404 : i32 to index
      %swap3A_407 = arith.index_cast %swap3A_405 : i32 to index
      %swap3A_408 = arith.index_cast %scan3A_224 : i32 to index
      %swap3A_409 = arith.constant 16 : index
      %swap3A_410 = tpu.vector_load %arg7[%swap3A_406, %swap3A_407, %swap3A_408, %swap3A_409] {strides = array<i32>} : memref<2x4x50x64xf32, #tpu.memory_space<vmem>>, vector<1x1x1x16xf32>,
      %swap3A_411 = vector.shape_cast %swap3A_410 : vector<1x1x1x16xf32> to vector<16xf32>
      %swap3A_412 = vector.shape_cast %get3A_403 : vector<16xf32> to vector<1x1x1x16xf32>
      tpu.vector_store %arg7[%swap3A_406, %swap3A_407, %swap3A_408, %swap3A_409], %swap3A_412 {strides = array<i32>} : memref<2x4x50x64xf32, #tpu.memory_space<vmem>>, vector<1x1x1x16xf32>,
      %add3A_413 = arith.constant 0 : i32
      %add3A_414 = arith.addi %add3A_413, %scan3A_224 : i32
      %get3A_415 = arith.constant 1 : i32
      %get3A_416 = arith.constant 1 : i32
      %get3A_417 = arith.index_cast %get3A_415 : i32 to index
      %get3A_418 = arith.index_cast %get3A_416 : i32 to index
      %get3A_419 = arith.index_cast %add3A_414 : i32 to index
      %get3A_420 = arith.constant 32 : index
      %get3A_421 = tpu.vector_load %arg6[%get3A_417, %get3A_418, %get3A_419, %get3A_420] {strides = array<i32>} : memref<2x2x112x128xf32, #tpu.memory_space<vmem>>, vector<1x1x1x16xf32>,
      %get3A_422 = vector.shape_cast %get3A_421 : vector<1x1x1x16xf32> to vector<16xf32>
      %swap3A_423 = arith.constant 1 : i32
      %swap3A_424 = arith.constant 2 : i32
      %swap3A_425 = arith.index_cast %swap3A_423 : i32 to index
      %swap3A_426 = arith.index_cast %swap3A_424 : i32 to index
      %swap3A_427 = arith.index_cast %scan3A_224 : i32 to index
      %swap3A_428 = arith.constant 32 : index
      %swap3A_429 = tpu.vector_load %arg7[%swap3A_425, %swap3A_426, %swap3A_427, %swap3A_428] {strides = array<i32>} : memref<2x4x50x64xf32, #tpu.memory_space<vmem>>, vector<1x1x1x16xf32>,
      %swap3A_430 = vector.shape_cast %swap3A_429 : vector<1x1x1x16xf32> to vector<16xf32>
      %swap3A_431 = vector.shape_cast %get3A_422 : vector<16xf32> to vector<1x1x1x16xf32>
      tpu.vector_store %arg7[%swap3A_425, %swap3A_426, %swap3A_427, %swap3A_428], %swap3A_431 {strides = array<i32>} : memref<2x4x50x64xf32, #tpu.memory_space<vmem>>, vector<1x1x1x16xf32>,
      %add3A_432 = arith.constant 0 : i32
      %add3A_433 = arith.addi %add3A_432, %scan3A_224 : i32
      %get3A_434 = arith.constant 1 : i32
      %get3A_435 = arith.constant 1 : i32
      %get3A_436 = arith.index_cast %get3A_434 : i32 to index
      %get3A_437 = arith.index_cast %get3A_435 : i32 to index
      %get3A_438 = arith.index_cast %add3A_433 : i32 to index
      %get3A_439 = arith.constant 48 : index
      %get3A_440 = tpu.vector_load %arg6[%get3A_436, %get3A_437, %get3A_438, %get3A_439] {strides = array<i32>} : memref<2x2x112x128xf32, #tpu.memory_space<vmem>>, vector<1x1x1x16xf32>,
      %get3A_441 = vector.shape_cast %get3A_440 : vector<1x1x1x16xf32> to vector<16xf32>
      %swap3A_442 = arith.constant 1 : i32
      %swap3A_443 = arith.constant 2 : i32
      %swap3A_444 = arith.index_cast %swap3A_442 : i32 to index
      %swap3A_445 = arith.index_cast %swap3A_443 : i32 to index
      %swap3A_446 = arith.index_cast %scan3A_224 : i32 to index
      %swap3A_447 = arith.constant 48 : index
      %swap3A_448 = tpu.vector_load %arg7[%swap3A_444, %swap3A_445, %swap3A_446, %swap3A_447] {strides = array<i32>} : memref<2x4x50x64xf32, #tpu.memory_space<vmem>>, vector<1x1x1x16xf32>,
      %swap3A_449 = vector.shape_cast %swap3A_448 : vector<1x1x1x16xf32> to vector<16xf32>
      %swap3A_450 = vector.shape_cast %get3A_441 : vector<16xf32> to vector<1x1x1x16xf32>
      tpu.vector_store %arg7[%swap3A_444, %swap3A_445, %swap3A_446, %swap3A_447], %swap3A_450 {strides = array<i32>} : memref<2x4x50x64xf32, #tpu.memory_space<vmem>>, vector<1x1x1x16xf32>,
      %add3A_451 = arith.constant 56 : i32
      %add3A_452 = arith.addi %add3A_451, %scan3A_224 : i32
      %get3A_453 = arith.constant 1 : i32
      %get3A_454 = arith.constant 1 : i32
      %get3A_455 = arith.index_cast %get3A_453 : i32 to index
      %get3A_456 = arith.index_cast %get3A_454 : i32 to index
      %get3A_457 = arith.index_cast %add3A_452 : i32 to index
      %get3A_458 = arith.constant 0 : index
      %get3A_459 = tpu.vector_load %arg6[%get3A_455, %get3A_456, %get3A_457, %get3A_458] {strides = array<i32>} : memref<2x2x112x128xf32, #tpu.memory_space<vmem>>, vector<1x1x1x16xf32>,
      %get3A_460 = vector.shape_cast %get3A_459 : vector<1x1x1x16xf32> to vector<16xf32>
      %swap3A_461 = arith.constant 1 : i32
      %swap3A_462 = arith.constant 3 : i32
      %swap3A_463 = arith.index_cast %swap3A_461 : i32 to index
      %swap3A_464 = arith.index_cast %swap3A_462 : i32 to index
      %swap3A_465 = arith.index_cast %scan3A_224 : i32 to index
      %swap3A_466 = arith.constant 0 : index
      %swap3A_467 = tpu.vector_load %arg7[%swap3A_463, %swap3A_464, %swap3A_465, %swap3A_466] {strides = array<i32>} : memref<2x4x50x64xf32, #tpu.memory_space<vmem>>, vector<1x1x1x16xf32>,
      %swap3A_468 = vector.shape_cast %swap3A_467 : vector<1x1x1x16xf32> to vector<16xf32>
      %swap3A_469 = vector.shape_cast %get3A_460 : vector<16xf32> to vector<1x1x1x16xf32>
      tpu.vector_store %arg7[%swap3A_463, %swap3A_464, %swap3A_465, %swap3A_466], %swap3A_469 {strides = array<i32>} : memref<2x4x50x64xf32, #tpu.memory_space<vmem>>, vector<1x1x1x16xf32>,
      %add3A_470 = arith.constant 56 : i32
      %add3A_471 = arith.addi %add3A_470, %scan3A_224 : i32
      %get3A_472 = arith.constant 1 : i32
      %get3A_473 = arith.constant 1 : i32
      %get3A_474 = arith.index_cast %get3A_472 : i32 to index
      %get3A_475 = arith.index_cast %get3A_473 : i32 to index
      %get3A_476 = arith.index_cast %add3A_471 : i32 to index
      %get3A_477 = arith.constant 16 : index
      %get3A_478 = tpu.vector_load %arg6[%get3A_474, %get3A_475, %get3A_476, %get3A_477] {strides = array<i32>} : memref<2x2x112x128xf32, #tpu.memory_space<vmem>>, vector<1x1x1x16xf32>,
      %get3A_479 = vector.shape_cast %get3A_478 : vector<1x1x1x16xf32> to vector<16xf32>
      %swap3A_480 = arith.constant 1 : i32
      %swap3A_481 = arith.constant 3 : i32
      %swap3A_482 = arith.index_cast %swap3A_480 : i32 to index
      %swap3A_483 = arith.index_cast %swap3A_481 : i32 to index
      %swap3A_484 = arith.index_cast %scan3A_224 : i32 to index
      %swap3A_485 = arith.constant 16 : index
      %swap3A_486 = tpu.vector_load %arg7[%swap3A_482, %swap3A_483, %swap3A_484, %swap3A_485] {strides = array<i32>} : memref<2x4x50x64xf32, #tpu.memory_space<vmem>>, vector<1x1x1x16xf32>,
      %swap3A_487 = vector.shape_cast %swap3A_486 : vector<1x1x1x16xf32> to vector<16xf32>
      %swap3A_488 = vector.shape_cast %get3A_479 : vector<16xf32> to vector<1x1x1x16xf32>
      tpu.vector_store %arg7[%swap3A_482, %swap3A_483, %swap3A_484, %swap3A_485], %swap3A_488 {strides = array<i32>} : memref<2x4x50x64xf32, #tpu.memory_space<vmem>>, vector<1x1x1x16xf32>,
      %add3A_489 = arith.constant 56 : i32
      %add3A_490 = arith.addi %add3A_489, %scan3A_224 : i32
      %get3A_491 = arith.constant 1 : i32
      %get3A_492 = arith.constant 1 : i32
      %get3A_493 = arith.index_cast %get3A_491 : i32 to index
      %get3A_494 = arith.index_cast %get3A_492 : i32 to index
      %get3A_495 = arith.index_cast %add3A_490 : i32 to index
      %get3A_496 = arith.constant 32 : index
      %get3A_497 = tpu.vector_load %arg6[%get3A_493, %get3A_494, %get3A_495, %get3A_496] {strides = array<i32>} : memref<2x2x112x128xf32, #tpu.memory_space<vmem>>, vector<1x1x1x16xf32>,
      %get3A_498 = vector.shape_cast %get3A_497 : vector<1x1x1x16xf32> to vector<16xf32>
      %swap3A_499 = arith.constant 1 : i32
      %swap3A_500 = arith.constant 3 : i32
      %swap3A_501 = arith.index_cast %swap3A_499 : i32 to index
      %swap3A_502 = arith.index_cast %swap3A_500 : i32 to index
      %swap3A_503 = arith.index_cast %scan3A_224 : i32 to index
      %swap3A_504 = arith.constant 32 : index
      %swap3A_505 = tpu.vector_load %arg7[%swap3A_501, %swap3A_502, %swap3A_503, %swap3A_504] {strides = array<i32>} : memref<2x4x50x64xf32, #tpu.memory_space<vmem>>, vector<1x1x1x16xf32>,
      %swap3A_506 = vector.shape_cast %swap3A_505 : vector<1x1x1x16xf32> to vector<16xf32>
      %swap3A_507 = vector.shape_cast %get3A_498 : vector<16xf32> to vector<1x1x1x16xf32>
      tpu.vector_store %arg7[%swap3A_501, %swap3A_502, %swap3A_503, %swap3A_504], %swap3A_507 {strides = array<i32>} : memref<2x4x50x64xf32, #tpu.memory_space<vmem>>, vector<1x1x1x16xf32>,
      %add3A_508 = arith.constant 56 : i32
      %add3A_509 = arith.addi %add3A_508, %scan3A_224 : i32
      %get3A_510 = arith.constant 1 : i32
      %get3A_511 = arith.constant 1 : i32
      %get3A_512 = arith.index_cast %get3A_510 : i32 to index
      %get3A_513 = arith.index_cast %get3A_511 : i32 to index
      %get3A_514 = arith.index_cast %add3A_509 : i32 to index
      %get3A_515 = arith.constant 48 : index
      %get3A_516 = tpu.vector_load %arg6[%get3A_512, %get3A_513, %get3A_514, %get3A_515] {strides = array<i32>} : memref<2x2x112x128xf32, #tpu.memory_space<vmem>>, vector<1x1x1x16xf32>,
      %get3A_517 = vector.shape_cast %get3A_516 : vector<1x1x1x16xf32> to vector<16xf32>
      %swap3A_518 = arith.constant 1 : i32
      %swap3A_519 = arith.constant 3 : i32
      %swap3A_520 = arith.index_cast %swap3A_518 : i32 to index
      %swap3A_521 = arith.index_cast %swap3A_519 : i32 to index
      %swap3A_522 = arith.index_cast %scan3A_224 : i32 to index
      %swap3A_523 = arith.constant 48 : index
      %swap3A_524 = tpu.vector_load %arg7[%swap3A_520, %swap3A_521, %swap3A_522, %swap3A_523] {strides = array<i32>} : memref<2x4x50x64xf32, #tpu.memory_space<vmem>>, vector<1x1x1x16xf32>,
      %swap3A_525 = vector.shape_cast %swap3A_524 : vector<1x1x1x16xf32> to vector<16xf32>
      %swap3A_526 = vector.shape_cast %get3A_517 : vector<16xf32> to vector<1x1x1x16xf32>
      tpu.vector_store %arg7[%swap3A_520, %swap3A_521, %swap3A_522, %swap3A_523], %swap3A_526 {strides = array<i32>} : memref<2x4x50x64xf32, #tpu.memory_space<vmem>>, vector<1x1x1x16xf32>,
    }
    %scan3A_185 = arith.constant 50 : i32
    %add3A_186 = arith.constant 124 : i32
    %add3A_187 = arith.addi %mul3A_2, %add3A_186 : i32
    %dma_start3A_188 = arith.constant 1 : i32
    %dma_start3A_189 = arith.constant 0 : i32
    %dma_start3A_190 = arith.constant 0 : i32
    %dma_start3A_191 = arith.constant 0 : i32
    %dma_start3A_192 = tpu.memref_slice %arg7[%dma_start3A_188, %dma_start3A_189, %dma_start3A_190, %dma_start3A_191] : memref<2x4x50x64xf32, #tpu.memory_space<vmem>> -> memref<1x4x50x64xf32, #tpu.memory_space<vmem>>
    %dma_start3A_193 = tpu.memref_squeeze %dma_start3A_192 : memref<1x4x50x64xf32, #tpu.memory_space<vmem>> -> memref<4x50x64xf32, #tpu.memory_space<vmem>>
    %dma_start3A_194 = arith.constant 0 : i32
    %dma_start3A_195 = arith.constant 0 : i32
    %dma_start3A_196 = tpu.memref_slice %arg4[%add3A_187, %dma_start3A_194, %dma_start3A_195] : memref<4096x50x64xf32, #tpu.memory_space<hbm>> -> memref<4x50x64xf32, #tpu.memory_space<hbm>>
    %dma_start3A_197 = arith.constant 0 : i32
    %dma_start3A_198 = arith.constant 0 : i32
    %dma_start3A_199 = tpu.memref_slice %arg4[%add3A_187, %dma_start3A_197, %dma_start3A_198] : memref<4096x50x64xf32, #tpu.memory_space<hbm>> -> memref<4x50x64xf32, #tpu.memory_space<hbm>>
    %dma_start3A_200 = arith.constant 0 : i32
    %dma_start3A_201 = arith.constant 0 : i32
    %dma_start3A_202 = arith.constant 0 : i32
    %dma_start3A_203 = tpu.memref_slice %arg7[%dma_start3A_188, %dma_start3A_200, %dma_start3A_201, %dma_start3A_202] : memref<2x4x50x64xf32, #tpu.memory_space<vmem>> -> memref<1x4x50x64xf32, #tpu.memory_space<vmem>>
    %dma_start3A_204 = tpu.memref_squeeze %dma_start3A_203 : memref<1x4x50x64xf32, #tpu.memory_space<vmem>> -> memref<4x50x64xf32, #tpu.memory_space<vmem>>
    tpu.enqueue_dma source(%dma_start3A_204 : memref<4x50x64xf32, #tpu.memory_space<vmem>>) target(%dma_start3A_199 : memref<4x50x64xf32, #tpu.memory_space<hbm>>) target_semaphore(%arg11 : memref<!tpu.dma_semaphore, #tpu.memory_space<semaphore_mem>>)
    %add3A_205 = arith.constant 124 : i32
    %add3A_206 = arith.addi %mul3A_2, %add3A_205 : i32
    %dma_wait3A_207 = arith.constant 1 : i32
    %dma_wait3A_208 = arith.constant 0 : i32
    %dma_wait3A_209 = arith.constant 0 : i32
    %dma_wait3A_210 = arith.constant 0 : i32
    %dma_wait3A_211 = tpu.memref_slice %arg7[%dma_wait3A_207, %dma_wait3A_208, %dma_wait3A_209, %dma_wait3A_210] : memref<2x4x50x64xf32, #tpu.memory_space<vmem>> -> memref<1x4x50x64xf32, #tpu.memory_space<vmem>>
    %dma_wait3A_212 = tpu.memref_squeeze %dma_wait3A_211 : memref<1x4x50x64xf32, #tpu.memory_space<vmem>> -> memref<4x50x64xf32, #tpu.memory_space<vmem>>
    %dma_wait3A_213 = arith.constant 0 : i32
    %dma_wait3A_214 = arith.constant 0 : i32
    %dma_wait3A_215 = tpu.memref_slice %arg4[%add3A_206, %dma_wait3A_213, %dma_wait3A_214] : memref<4096x50x64xf32, #tpu.memory_space<hbm>> -> memref<4x50x64xf32, #tpu.memory_space<hbm>>
    %dma_wait3A_216 = arith.constant 0 : i32
    %dma_wait3A_217 = arith.constant 0 : i32
    %dma_wait3A_218 = tpu.memref_slice %arg4[%add3A_206, %dma_wait3A_216, %dma_wait3A_217] : memref<4096x50x64xf32, #tpu.memory_space<hbm>> -> memref<4x50x64xf32, #tpu.memory_space<hbm>>
    %dma_wait3A_219 = arith.constant 0 : i32
    %dma_wait3A_220 = arith.constant 0 : i32
    %dma_wait3A_221 = arith.constant 0 : i32
    %dma_wait3A_222 = tpu.memref_slice %arg7[%dma_wait3A_207, %dma_wait3A_219, %dma_wait3A_220, %dma_wait3A_221] : memref<2x4x50x64xf32, #tpu.memory_space<vmem>> -> memref<1x4x50x64xf32, #tpu.memory_space<vmem>>
    %dma_wait3A_223 = tpu.memref_squeeze %dma_wait3A_222 : memref<1x4x50x64xf32, #tpu.memory_space<vmem>> -> memref<4x50x64xf32, #tpu.memory_space<vmem>>
    tpu.wait_dma2 semaphore(%arg11 : memref<!tpu.dma_semaphore, #tpu.memory_space<semaphore_mem>>) src(%dma_wait3A_223 : memref<4x50x64xf32, #tpu.memory_space<vmem>>) dst(%dma_wait3A_218 : memref<4x50x64xf32, #tpu.memory_space<hbm>>)
    return
  }
}

</mosaic_0001>

<sc_bundles>
// kernel: _sc_gather.3.cloned.1.call-start
scs
__scs_entry_jumppad:
0x0: {  	(pc) =	sbr.rel $0x88, $3  }
0x1: {  	(tag) =	ssettag $0x0;
	lr =	simm.s32 $0x1  }
0x2: {  	[smem:$0x3F9F] =	sst lr;
	_ =	strace $0xD0000000  }
0x3: {  	_ = 	snop  }
0x4: {  	_ = 	snop  }
0x5: {  	_ = 	snop  }
0x6: {  	_ = 	snop  }
0x7: {  	_ = 	snop  }
__scs_overlays_trampoline_lowered:
0x8: {  	[smem:$0x3FAE] =	sst s0  }
0x9: {  	[smem:$0x3FAF] =	sst s1  }
0xa: {  	[smem:$0x3FB0] =	sst s2  }
0xb: {  	[smem:$0x3FB1] =	sst s3  }
0xc: {  	[smem:$0x3FB2] =	sst s4  }
0xd: {  	[smem:$0x3FB3] =	sst s5  }
0xe: {  	[smem:$0x3FB4] =	sst s6  }
0xf: {  	[smem:$0x3FB5] =	sst s7  }
0x10: {  	[smem:$0x3FB6] =	sst s8  }
0x11: {  	[smem:$0x3FB7] =	sst s9;
	s0 =	simm.s32 @!p0 $0x0  }
0x12: {  	s1 =	sld [smem:$0x3F9D];
	s0 =	simm.s32 @p0 $0x1  }
0x13: {  	[smem:$0x3FB8] =	sst s0;
	s0 =	simm.s32 @!p1 $0x0  }
0x14: {  	s2 =	sld [smem:$0x3F9C];
	s0 =	simm.s32 @p1 $0x1  }
0x15: {  	[smem:$0x3FB9] =	sst s0;
	s0 =	simm.s32 @!p2 $0x0  }
0x16: {  	s3 =	sld [smem:$0x3FDB];
	s0 =	simm.s32 @p2 $0x1  }
0x17: {  	s4 =	simm.s32 $0x1BF5;
	[smem:$0x3FBB] =	sst s0  }
0x18: {  	s0 =	sld [smem:$0x3F9E];
	_ =	swait.ge [sflag:s4], $0x0  }
0x19: {  	s7 =	sld [smem:$0x3F9F]  }
0x1a: {  	s8 =	sadd.s32 $0xFFFFE003, lr  }
0x1b: {  	s9 =	sadd.s32 $0xFFFFFEF7, lr;
	s5 =	simm.s32 $0xFFFFFFFF;
	p2 =	slt.u32 s8, $0xFFFFF086  }
0x1c: {  	p1 =	slt.u32 s9, $0xF7A;
	s5 =	simm.s32 @!p2 $0x0  }
0x1d: {  	s5 =	simm.s32 @p1 $0x1;
	p0 =	seq.s32 s7, s2  }
0x1e: {  	s7 =	smul.u32 @!p0 $0xF7A, s2;
	p2 =	seq.s32 @!p0 s5, $0x0  }
0x1f: {  	s9 =	smul.u32 $0xF7A, s1;
	s8 =	simm.s32 @!p0 $0x1BF5;
	p2 =	por !p2, p0  }
0x20: {  	[sflag:s8] =	ssyncset.s32 @!p0 $0xFFFFF086;
	s6 =	sadd.s32 @!p0 s3, s7;
	s7 =	simm.s32 @!p0 $0x108  }
0x21: {  	s3 =	sadd.s32 s3, s9;
	s6 =	sadd.s32 @!p0 $0x88, s6;
	s7 =	simm.s32 @p2 $0x1082  }
0x22: {  	[simem:s7], [sflag:s8] =	dma.local @!p0 [hbm:s6], $0xF7A  }
0x23: {  	s9 =	sor.u32 $0xD0000000, s2;
	s6 =	simm.s32 $0x108;
	_ =	swait.ge @!p0 [sflag:s8], $0x0  }
0x24: {  	s3 =	sadd.s32 $0x88, s3;
	s6 =	simm.s32 @!p1 $0x1082;
	[sflag:s4] =	ssyncset.s32 $0xFFFFF086  }
0x25: {  	[simem:s6], [sflag:s4] =	dma.local [hbm:s3], $0xF7A  }
0x26: {  	[smem:$0x3F9F] =	sst s1;
	(tag) =	ssettag s2;
	_ =	strace s9  }
0x27: {  	s1 =	sld [smem:$0x3FAF]  }
0x28: {  	s2 =	sld [smem:$0x3FB0]  }
0x29: {  	s4 =	sld [smem:$0x3FB2]  }
0x2a: {  	p0 =	seq.s32 s5, $0x0;
	s5 =	sld [smem:$0x3FB3]  }
0x2b: {  	s6 =	sld [smem:$0x3FB4]  }
0x2c: {  	s7 =	sld [smem:$0x3FB5]  }
0x2d: {  	s3 =	simm.s32 $0x108;
	s8 =	sld [smem:$0x3FB6]  }
0x2e: {  	s3 =	simm.s32 @!p0 $0x1082;
	s9 =	sld [smem:$0x3FB7]  }
0x2f: {  	lr =	sadd.s32 s0, s3;
	s0 =	sld [smem:$0x3FAE]  }
0x30: {  	s3 =	sld [smem:$0x3FB1]  }
0x31: {  	[smem:$0x3FBA] =	sst s10  }
0x32: {  	s10 =	sld [smem:$0x3FB8];
	_ =	sdelay $0x3  }
0x33: {  	p0 =	seq.s32 s10, $0x1;
	s10 =	sld [smem:$0x3FBA];
	_ =	sdelay $0x3  }
0x34: {  	[smem:$0x3FBA] =	sst s10  }
0x35: {  	s10 =	sld [smem:$0x3FB9];
	_ =	sdelay $0x3  }
0x36: {  	p1 =	seq.s32 s10, $0x1;
	s10 =	sld [smem:$0x3FBA];
	_ =	sdelay $0x3  }
0x37: {  	[smem:$0x3FBA] =	sst s10  }
0x38: {  	s10 =	sld [smem:$0x3FBB]  }
0x39: {  	_ = 	snop;
	(pc) =	sbr.ind lr, $3  }
0x3a: {  	_ = 	snop  }
0x3b: {  	_ = 	snop  }
0x3c: {  	p2 =	seq.s32 s10, $0x1;
	s10 =	sld [smem:$0x3FBA]  }
0x3d: {  	_ =	shalt  }
0x3e: {  	_ =	shalt  }
0x3f: {  	_ =	shalt  }
0x40: {  	_ =	shalt  }
0x41: {  	_ =	shalt  }
0x42: {  	_ =	shalt  }
0x43: {  	_ =	shalt  }
0x44: {  	_ =	shalt  }
0x45: {  	_ =	shalt  }
0x46: {  	_ =	shalt  }
0x47: {  	_ =	shalt  }
0x48: {  	_ =	shalt  }
0x49: {  	_ =	shalt  }
0x4a: {  	_ =	shalt  }
0x4b: {  	_ =	shalt  }
0x4c: {  	_ =	shalt  }
0x4d: {  	_ =	shalt  }
0x4e: {  	_ =	shalt  }
0x4f: {  	_ =	shalt  }
0x50: {  	_ =	shalt  }
0x51: {  	_ =	shalt  }
0x52: {  	_ =	shalt  }
0x53: {  	_ =	shalt  }
0x54: {  	_ =	shalt  }
0x55: {  	_ =	shalt  }
0x56: {  	_ =	shalt  }
0x57: {  	_ =	shalt  }
0x58: {  	_ =	shalt  }
0x59: {  	_ =	shalt  }
0x5a: {  	_ =	shalt  }
0x5b: {  	_ =	shalt  }
0x5c: {  	_ =	shalt  }
0x5d: {  	_ =	shalt  }
0x5e: {  	_ =	shalt  }
0x5f: {  	_ =	shalt  }
0x60: {  	_ =	shalt  }
0x61: {  	_ =	shalt  }
0x62: {  	_ =	shalt  }
0x63: {  	_ =	shalt  }
0x64: {  	_ =	shalt  }
0x65: {  	_ =	shalt  }
0x66: {  	_ =	shalt  }
0x67: {  	_ =	shalt  }
0x68: {  	_ =	shalt  }
0x69: {  	_ =	shalt  }
0x6a: {  	_ =	shalt  }
0x6b: {  	_ =	shalt  }
0x6c: {  	_ =	shalt  }
0x6d: {  	_ =	shalt  }
0x6e: {  	_ =	shalt  }
0x6f: {  	_ =	shalt  }
0x70: {  	_ =	shalt  }
0x71: {  	_ =	shalt  }
0x72: {  	_ =	shalt  }
0x73: {  	_ =	shalt  }
0x74: {  	_ =	shalt  }
0x75: {  	_ =	shalt  }
0x76: {  	_ =	shalt  }
0x77: {  	_ =	shalt  }
0x78: {  	_ =	shalt  }
0x79: {  	_ =	shalt  }
0x7a: {  	_ =	shalt  }
0x7b: {  	_ =	shalt  }
0x7c: {  	_ =	shalt  }
0x7d: {  	_ =	shalt  }
0x7e: {  	_ =	shalt  }
0x7f: {  	_ =	shalt  }
0x80: {  	_ =	shalt  }
0x81: {  	_ =	shalt  }
0x82: {  	_ =	shalt  }
0x83: {  	_ =	shalt  }
0x84: {  	_ =	shalt  }
0x85: {  	_ =	shalt  }
0x86: {  	_ =	shalt  }
0x87: {  	_ =	shalt  }
.Lfunc_end0:
.L_simem_size_0:
called_computation_lowered:
.L_overlay_start_0:
0x88: {  	s2 =	sld [smem:$0x3FD9]  }
0x89: {  	s3 =	sld [smem:$0x3FFE];
	_ =	sdelay $0x1  }
0x8a: {  	s1 =	srdreg.scid  }
0x8b: {  	s0 =	sand.u32 $0x1, s1  }
0x8c: {  	s17 =	sshll.u32 s0, $0xA;
	s2 =	sadd.s32 s3, s2  }
0x8d: {  	s2 =	sadd.s32 s2, s17  }
0x8e: {  	[smem:$0x3FC6] =	sst s2  }
0x8f: {  	_ = 	snop  }
0x90: {  	s2 =	sld [smem:$0x3FC9]  }
0x91: {  	s18 =	sld [smem:$0x3FC8];
	(tm) =	ssettm $0x1  }
0x92: {  	s4 =	sld [smem:$0x3FFB];
	_ =	sdelay $0x3  }
0x93: {  	_ =	strace s4  }
0x94: {  	s4 =	sld [smem:$0x3FFC];
	_ =	sdelay $0x3  }
0x95: {  	_ =	strace s4  }
0x96: {  	s4 =	sld [smem:$0x3FFD];
	_ =	sdelay $0x3  }
0x97: {  	_ =	strace s4  }
0x98: {  	_ =	strace $0x8FFFFFFF  }
0x99: {  	s19 =	sld [smem:$0x3FDB];
	_ =	sdelay $0x1  }
0x9a: {  	s5 =	simm.s32 $_scs_section_size  }
0x9b: {  	s6 =	simm.s32 $_size__tile_overlayer_lowered;
	s7 =	simm.s32 $_tile_overlayer_lowered  }
0x9c: {  	s22 =	simm.s32 $0x1BFF;
	s21 =	sshll.u32 s7, $0x1;
	s4 =	sadd.s32 s5, s19  }
0x9d: {  	s8 =	simm.s32 $0x0;
	s20 =	sshll.u32 s6, $0x1;
	s6 =	sadd.s32 s21, s4  }
0x9e: {  	[timem:s8], [sflag:s22] =	dma.local [hbm:s6], s20  }
0x9f: {  	_ =	swait.ge [sflag:s22], s20  }
0xa0: {  	s5 =	ssub.s32 $0x0, s20;
	[sflag:s22] =	ssyncset.done $0x0  }
0xa1: {  	[sflag:s22] =	ssyncadd.s32 s5;
	_ =	sdelay $0x1  }
0xa2: {  	s23 =	simm.s32 $0x1B8B  }
0xa3: {  	_ =	swait.ge [sflag:s23], $0x1  }
0xa4: {  	[sflag:s23] =	ssyncset.done $0x0  }
0xa5: {  	s25 =	simm.s32 $0x1B8E;
	s24 =	sld [smem:$0x3FFE];
	[sflag:s23] =	ssyncadd.s32 $0xFFFFFFFF  }
0xa6: {  	s26 =	simm.s32 $execute0_lowered;
	[smem:$0x3FD2] =	sst s25  }
0xa7: {  	s6 =	sshll.u32 s26, $0x1;
	_ =	strace $0x80000046;
	[dreg:$0x1] =	wrdreg $0xFFFFFFFF  }
0xa8: {  	s28 =	simm.s32 $_size_execute0_lowered;
	s4 =	sadd.s32 s4, s6;
	[dreg:$0x0] =	wrdreg $0x0  }
0xa9: {  	s6 =	sshll.u32 s28, $0x1;
	[dreg:$0x2] =	wrdreg s4  }
0xaa: {  	[dreg:$0x3] =	wrdreg s6  }
0xab: {  	[dreg:$0x4] =	wrdreg $0xC0  }
0xac: {  	_ =	task [dreg:s8], $0x5FFFF  }
0xad: {  	[dreg:$0x1] =	wrdreg $0xFFFFFFFF  }
0xae: {  	[dreg:$0x0] =	wrdreg $0x60  }
0xaf: {  	[dreg:$0x2] =	wrdreg s2  }
0xb0: {  	[dreg:$0x3] =	wrdreg s18  }
0xb1: {  	[dreg:$0x4] =	wrdreg s24  }
0xb2: {  	[dreg:$0x5] =	wrdreg $0x9  }
0xb3: {  	_ =	task.clear_ibuf [dreg:s8], $0x6FFFF;
	_ =	strace $0x90000046  }
0xb4: {  	s29 =	simm.s32 $0x9;
	_ =	strace $0x80000048  }
0xb5: {  	_ =	swait.ge [sflag:s29], $0x1  }
0xb6: {  	[sflag:s29] =	ssyncadd.s32 $0xFFFFFFFF  }
0xb7: {  	_ =	strace $0x90000048  }
0xb8: {  	_ =	sfence  }
0xb9: {  	s30 =	sld [smem:$0x0];
	_ =	sdelay $0x2  }
0xba: {  	s31 =	sshll.u32 s1, $0xD;
	s1 =	sshrl.u32 s1, $0x2  }
0xbb: {  	s3 =	sand.u32 $0x4000, s31;
	s1 =	sadd.s32 s1, s30  }
0xbc: {  	s0 =	sor.u32 s3, s0;
	s1 =	sshll.u32 s1, $0x11  }
0xbd: {  	s0 =	sor.u32 s1, s0  }
0xbe: {  	s0 =	sadd.s32 $0x8F2B, s0  }
0xbf: {  	[sflag:s0] =	ssyncadd.remote.s32 $0x1  }
0xc0: {  	_ =	sfence.sel $0xFFFF  }
0xc1: {  	[dreg:$0x0] =	wrdreg $0xFFFFFFFF;
	(pc) =	sbr.abs _section_cstart, $3  }
0xc2: {  	[dreg:$0x1] =	wrdreg $0xFFFFFFFF  }
0xc3: {  	_ =	task.clear_ibuf [dreg:s8], $0x2FFFF;
	_ =	strace $0x9FFFFFFF  }
0xc4: {  	(tm) =	ssettm $0x7FFFFFFF  }
0xc5: {  	_ =	shalt  }
tec
execute0_lowered:
.L_overlay_start_1:
0x0: {  	(tag) =	ssettag $0x1  }
0x1: {  	s1 =	rddreg [dreg:$0x0]  }
0x2: {  	s0 =	rddreg [dreg:$0x1];
	s2 =	srdreg.scid  }
0x3: {  	s3 =	stileid.u32;
	s4 =	rddreg [dreg:$0x2];
	s10 =	simm.s32 $0x5  }
0x4: {  	s11 =	simm.s32 $0x70;
	s12 =	simm.s32 $0x1C00;
	s13 =	simm.s32 $0x5400  }
0x5: {  	s15 =	simm.s32 $0x8C00;
	s17 =	simm.s32 $0xC400;
	s18 =	simm.s32 $0x1  }
0x6: {  	s19 =	simm.s32 $0xFC00;
	s20 =	simm.s32 $0x11800;
	s21 =	simm.s32 $0x13400  }
0x7: {  	s22 =	simm.s32 $0x15000;
	s23 =	simm.s32 $0x3;
	s24 =	simm.s32 $0x2  }
0x8: {  	s28 =	simm.s32 $0x1A400;
	s29 =	simm.s32 $0x1C000;
	s30 =	simm.s32 $0x4  }
0x9: {  	s31 =	simm.s32 $0x0;
	s2 =	sand.u32 $0x1, s2;
	s5 =	sshll.u32 s3, $0x1  }
0xa: {  	s3 =	simm.s32 $0x0;
	s4 =	sadd.s32 $0x400, s4;
	s5 =	sor.u32 s2, s5  }
0xb: {  	[smem:$0x7FF] =	sst s3;
	s2 =	ssub.s32 $0x2, s2;
	s8 =	smul.u32 $0x380, s5  }
0xc: {  	s6 =	smul.u32 $0xE0000, s5;
	_ =	strace $0x80000047;
	s7 =	sshrl.u32 s2, $0x1  }
0xd: {  	s5 =	sshll.u32 s5, $0x7;
	s2 =	ssub.s32 s2, s7;
	s0 =	sadd.s32 s0, s8  }
0xe: {  	s6 =	sshrl.u32 s6, $0x3;
	s26 =	smax.u32 s2, $0x1;
	[dreg:$0x4] =	wrdreg s0  }
0xf: {  	s25 =	sadd.s32 s4, s6;
	[dreg:$0x5] =	wrdreg s26;
	s26 =	simm.s32 $0x18800  }
0x10: {  	s7 =	sadd.s32 $0x1A400, s25;
	s8 =	sadd.s32 $0x1B200, s25;
	s25 =	simm.s32 $0x16C00  }
.LBB2_1:
0x11: {  	s0 =	rddreg [dreg:$0x4]  }
0x12: {  	[tilespmem:s3], [sflag:$0x5] =	stream.linear.gather [hbm4b:s0+s3], $0x1C00, $0x38;
	[tilespmem:$0x1DC00] =	vst v63  }
0x13: {  	_ =	swait.ge [sflag:s10], $0x1C00  }
0x14: {  	[sflag:s10] =	ssyncset.done $0x0  }
0x15: {  	[sflag:s10] =	ssyncadd.s32 $0xFFFFE400  }
0x16: {  	[tilespmem:s12], [sflag:$0x1] =	stream.indirect.gather [hbm4b:s1+s11], $0x80, s3, s11, $0xb8;
	[tilespmem:$0x1DC00] =	vst v63  }
0x17: {  	_ = 	snop  }
0x18: {  	[tilespmem:s13], [sflag:$0x1] =	stream.indirect.gather [hbm4b:s1+s11], $0x80, s11, s11, $0xb8;
	[tilespmem:$0x1DC00] =	vst v63  }
0x19: {  	s14 =	simm.s32 $0xE0  }
0x1a: {  	[tilespmem:s15], [sflag:$0x2] =	stream.indirect.gather [hbm4b:s1+s11], $0x80, s14, s11, $0xb8;
	[tilespmem:$0x1DC00] =	vst v63  }
0x1b: {  	s16 =	simm.s32 $0x150;
	s2 =	simm.s32 $0x0  }
0x1c: {  	[tilespmem:s17], [sflag:$0x2] =	stream.indirect.gather [hbm4b:s1+s11], $0x80, s16, s11, $0xb8;
	[tilespmem:$0x1DC00] =	vst v63  }
.LBB2_2:
0x1d: {  	_ =	swait.ge [sflag:s18], $0x3800  }
0x1e: {  	[sflag:s18] =	ssyncset.done $0x0  }
0x1f: {  	[sflag:s18] =	ssyncadd.s32 $0xFFFFC800  }
0x20: {  	_ =	swait.ge [sflag:s18], $0x3800  }
0x21: {  	[sflag:s18] =	ssyncset.done $0x0  }
0x22: {  	s0 =	simm.s32 $0x0;
	[sflag:s18] =	ssyncadd.s32 $0xFFFFC800  }
0x23: {  	v0 =	vld [tilespmem:s0+$0x7030]  }
0x24: {  	v1 =	vld [tilespmem:s0+$0x1C00]  }
0x25: {  	v2 =	vld [tilespmem:s0+$0x1C10]  }
0x26: {  	v3 =	vld [tilespmem:s0+$0x1C20]  }
0x27: {  	v4 =	vld [tilespmem:s0+$0x1C30]  }
0x28: {  	v5 =	vld [tilespmem:s0+$0x3800];
	[tilespmem:s0+$0x15030] =	vst v0  }
0x29: {  	[tilespmem:s0+$0xFC00] =	vst v1;
	v0 =	vld [tilespmem:s0+$0x3810]  }
0x2a: {  	[tilespmem:s0+$0xFC10] =	vst v2;
	v1 =	vld [tilespmem:s0+$0x3820]  }
0x2b: {  	[tilespmem:s0+$0xFC20] =	vst v3;
	v2 =	vld [tilespmem:s0+$0x3830]  }
0x2c: {  	[tilespmem:s0+$0xFC30] =	vst v4;
	v3 =	vld [tilespmem:s0+$0x5400]  }
0x2d: {  	[tilespmem:s0+$0x11800] =	vst v5;
	v4 =	vld [tilespmem:s0+$0x5410]  }
0x2e: {  	[tilespmem:s0+$0x11810] =	vst v0;
	v0 =	vld [tilespmem:s0+$0x5420]  }
0x2f: {  	[tilespmem:s0+$0x11820] =	vst v1;
	v1 =	vld [tilespmem:s0+$0x5430]  }
0x30: {  	[tilespmem:s0+$0x11830] =	vst v2;
	v2 =	vld [tilespmem:s0+$0x7000]  }
0x31: {  	[tilespmem:s0+$0x13400] =	vst v3;
	v3 =	vld [tilespmem:s0+$0x7010]  }
0x32: {  	s16 =	simm.s32 $0x80;
	s6 =	simm.s32 $0x400;
	[tilespmem:s0+$0x13410] =	vst v4;
	v4 =	vld [tilespmem:s0+$0x7020]  }
.LBB2_3:
0x33: {  	p0 =	sne.s32 s6, $0x6200;
	v5 =	vld [tilespmem:s16+$0x7030];
	[tilespmem:s0+$0x13420] =	vst v0  }
0x34: {  	v0 =	vld [tilespmem:s16+$0x1C00];
	[tilespmem:s0+$0x13430] =	vst v1  }
0x35: {  	v1 =	vld [tilespmem:s16+$0x1C10];
	[tilespmem:s0+$0x15000] =	vst v2  }
0x36: {  	v2 =	vld [tilespmem:s16+$0x1C20];
	[tilespmem:s0+$0x15010] =	vst v3  }
0x37: {  	v3 =	vld [tilespmem:s16+$0x1C30];
	[tilespmem:s0+$0x15020] =	vst v4;
	s0 =	smov.u32 s16  }
0x38: {  	v4 =	vld [tilespmem:s0+$0x3800];
	[tilespmem:s0+$0x15030] =	vst v5  }
0x39: {  	[tilespmem:s0+$0xFC00] =	vst v0;
	v0 =	vld [tilespmem:s0+$0x3810]  }
0x3a: {  	[tilespmem:s0+$0xFC10] =	vst v1;
	v1 =	vld [tilespmem:s0+$0x3820]  }
0x3b: {  	[tilespmem:s0+$0xFC20] =	vst v2;
	v2 =	vld [tilespmem:s0+$0x3830]  }
0x3c: {  	[tilespmem:s0+$0xFC30] =	vst v3;
	v3 =	vld [tilespmem:s0+$0x5400]  }
0x3d: {  	[tilespmem:s0+$0x11800] =	vst v4;
	v4 =	vld [tilespmem:s0+$0x5410]  }
.Ltmp0:
0x3e: {  	[tilespmem:s0+$0x11810] =	vst v0;
	v0 =	vld [tilespmem:s0+$0x5420];
	(pc) =	sbr.rel @p0 .LBB2_3-.Ltmp0, $4  }
0x3f: {  	[tilespmem:s0+$0x11820] =	vst v1;
	v1 =	vld [tilespmem:s0+$0x5430]  }
0x40: {  	[tilespmem:s0+$0x11830] =	vst v2;
	v2 =	vld [tilespmem:s0+$0x7000]  }
0x41: {  	[tilespmem:s0+$0x13400] =	vst v3;
	v3 =	vld [tilespmem:s0+$0x7010]  }
0x42: {  	s16 =	sshra.s32 s6, $0x2;
	s6 =	sadd.s32 $0x200, s6;
	[tilespmem:s0+$0x13410] =	vst v4;
	v4 =	vld [tilespmem:s0+$0x7020]  }
0x43: {  	v5 =	vld [tilespmem:s16+$0x7030];
	[tilespmem:s0+$0x13420] =	vst v0  }
0x44: {  	v0 =	vld [tilespmem:s16+$0x1C00];
	[tilespmem:s0+$0x13430] =	vst v1  }
0x45: {  	v1 =	vld [tilespmem:s16+$0x1C10];
	[tilespmem:s0+$0x15000] =	vst v2  }
0x46: {  	v2 =	vld [tilespmem:s16+$0x1C20];
	[tilespmem:s0+$0x15010] =	vst v3  }
0x47: {  	v3 =	vld [tilespmem:s16+$0x1C30];
	[tilespmem:s0+$0x15020] =	vst v4  }
0x48: {  	v4 =	vld [tilespmem:s16+$0x3800];
	[tilespmem:s16+$0x15030] =	vst v5  }
0x49: {  	[tilespmem:s16+$0xFC00] =	vst v0;
	v0 =	vld [tilespmem:s16+$0x3810]  }
0x4a: {  	[tilespmem:s16+$0xFC10] =	vst v1;
	v1 =	vld [tilespmem:s16+$0x3820]  }
0x4b: {  	[tilespmem:s16+$0xFC20] =	vst v2;
	v2 =	vld [tilespmem:s16+$0x3830]  }
0x4c: {  	[tilespmem:s16+$0xFC30] =	vst v3;
	v3 =	vld [tilespmem:s16+$0x5400]  }
0x4d: {  	[tilespmem:s16+$0x11800] =	vst v4;
	v4 =	vld [tilespmem:s16+$0x5410]  }
0x4e: {  	[tilespmem:s16+$0x11810] =	vst v0;
	v0 =	vld [tilespmem:s16+$0x5420]  }
0x4f: {  	[tilespmem:s16+$0x11820] =	vst v1;
	v1 =	vld [tilespmem:s16+$0x5430]  }
0x50: {  	[tilespmem:s16+$0x11830] =	vst v2;
	v2 =	vld [tilespmem:s16+$0x7000]  }
0x51: {  	[tilespmem:s16+$0x13400] =	vst v3;
	v3 =	vld [tilespmem:s16+$0x7010]  }
0x52: {  	[tilespmem:s16+$0x13410] =	vst v4;
	v4 =	vld [tilespmem:s16+$0x7020]  }
0x53: {  	s14 =	sshll.u32 s2, $0x3;
	[tilespmem:s16+$0x13420] =	vst v0  }
0x54: {  	s9 =	sadd.s32 s5, s14;
	[tilespmem:s16+$0x13430] =	vst v1  }
0x55: {  	s0 =	smul.u32 $0x380, s9;
	[tilespmem:s16+$0x15000] =	vst v2  }
0x56: {  	[tilespmem:s16+$0x15010] =	vst v3  }
0x57: {  	s6 =	simm.s32 $0x0;
	s0 =	sadd.s32 s4, s0;
	[tilespmem:s16+$0x15020] =	vst v4  }
0x58: {  	[hbm4b:s0+s6] =	stream.linear.scatter [tilespmem:s19], [sflag:$0x3], $0x1900, $0x38;
	[tilespmem:$0x1DC00] =	vst v63  }
0x59: {  	s9 =	sadd.s32 $0x380, s0  }
0x5a: {  	[hbm4b:s9+s6] =	stream.linear.scatter [tilespmem:s20], [sflag:$0x3], $0x1900, $0x38;
	[tilespmem:$0x1DC00] =	vst v63  }
0x5b: {  	s16 =	sadd.s32 $0x700, s0  }
0x5c: {  	[hbm4b:s16+s6] =	stream.linear.scatter [tilespmem:s21], [sflag:$0x3], $0x1900, $0x38;
	[tilespmem:$0x1DC00] =	vst v63  }
0x5d: {  	s0 =	sadd.s32 $0xA80, s0  }
0x5e: {  	[hbm4b:s0+s6] =	stream.linear.scatter [tilespmem:s22], [sflag:$0x3], $0x1900, $0x38;
	[tilespmem:$0x1DC00] =	vst v63  }
0x5f: {  	s6 =	smul.u32 $0x700, s2  }
0x60: {  	_ =	swait.ge [sflag:s23], $0x6400  }
0x61: {  	[sflag:s23] =	ssyncset.done $0x0;
	s0 =	sshra.s32 s6, $0x2  }
0x62: {  	[sflag:s23] =	ssyncadd.s32 $0xFFFF9C00;
	s9 =	sadd.s32 $0x1C0, s0  }
0x63: {  	[tilespmem:s12], [sflag:$0x1] =	stream.indirect.gather [hbm4b:s1+s11], $0x80, s9, s11, $0xb8;
	[tilespmem:$0x1DC00] =	vst v63  }
0x64: {  	s16 =	sadd.s32 $0x230, s0  }
0x65: {  	[tilespmem:s13], [sflag:$0x1] =	stream.indirect.gather [hbm4b:s1+s11], $0x80, s16, s11, $0xb8;
	[tilespmem:$0x1DC00] =	vst v63  }
0x66: {  	_ =	swait.ge [sflag:s24], $0x3800  }
0x67: {  	[sflag:s24] =	ssyncset.done $0x0  }
0x68: {  	[sflag:s24] =	ssyncadd.s32 $0xFFFFC800  }
0x69: {  	_ =	swait.ge [sflag:s24], $0x3800  }
0x6a: {  	[sflag:s24] =	ssyncset.done $0x0  }
0x6b: {  	s16 =	simm.s32 $0x0;
	[sflag:s24] =	ssyncadd.s32 $0xFFFFC800  }
0x6c: {  	v0 =	vld [tilespmem:s16+$0xE030]  }
0x6d: {  	v1 =	vld [tilespmem:s16+$0x8C00]  }
0x6e: {  	v2 =	vld [tilespmem:s16+$0x8C10]  }
0x6f: {  	v3 =	vld [tilespmem:s16+$0x8C20]  }
0x70: {  	v4 =	vld [tilespmem:s16+$0x8C30]  }
0x71: {  	v5 =	vld [tilespmem:s16+$0xA800];
	[tilespmem:s16+$0x1C030] =	vst v0  }
0x72: {  	[tilespmem:s16+$0x16C00] =	vst v1;
	v0 =	vld [tilespmem:s16+$0xA810]  }
0x73: {  	[tilespmem:s16+$0x16C10] =	vst v2;
	v1 =	vld [tilespmem:s16+$0xA820]  }
0x74: {  	[tilespmem:s16+$0x16C20] =	vst v3;
	v2 =	vld [tilespmem:s16+$0xA830]  }
0x75: {  	[tilespmem:s16+$0x16C30] =	vst v4;
	v3 =	vld [tilespmem:s16+$0xC400]  }
0x76: {  	[tilespmem:s16+$0x18800] =	vst v5;
	v4 =	vld [tilespmem:s16+$0xC410]  }
0x77: {  	[tilespmem:s16+$0x18810] =	vst v0;
	v0 =	vld [tilespmem:s16+$0xC420]  }
0x78: {  	[tilespmem:s16+$0x18820] =	vst v1;
	v1 =	vld [tilespmem:s16+$0xC430]  }
0x79: {  	[tilespmem:s16+$0x18830] =	vst v2;
	v2 =	vld [tilespmem:s16+$0xE000]  }
0x7a: {  	[tilespmem:s16+$0x1A400] =	vst v3;
	v3 =	vld [tilespmem:s16+$0xE010]  }
0x7b: {  	s6 =	simm.s32 $0x80;
	s9 =	simm.s32 $0x400;
	[tilespmem:s16+$0x1A410] =	vst v4;
	v4 =	vld [tilespmem:s16+$0xE020]  }
.LBB2_5:
0x7c: {  	p0 =	sne.s32 s9, $0x6200;
	v5 =	vld [tilespmem:s6+$0xE030];
	[tilespmem:s16+$0x1A420] =	vst v0  }
0x7d: {  	v0 =	vld [tilespmem:s6+$0x8C00];
	[tilespmem:s16+$0x1A430] =	vst v1  }
0x7e: {  	v1 =	vld [tilespmem:s6+$0x8C10];
	[tilespmem:s16+$0x1C000] =	vst v2  }
0x7f: {  	v2 =	vld [tilespmem:s6+$0x8C20];
	[tilespmem:s16+$0x1C010] =	vst v3  }
0x80: {  	v3 =	vld [tilespmem:s6+$0x8C30];
	[tilespmem:s16+$0x1C020] =	vst v4;
	s16 =	smov.u32 s6  }
0x81: {  	v4 =	vld [tilespmem:s16+$0xA800];
	[tilespmem:s16+$0x1C030] =	vst v5  }
0x82: {  	[tilespmem:s16+$0x16C00] =	vst v0;
	v0 =	vld [tilespmem:s16+$0xA810]  }
0x83: {  	[tilespmem:s16+$0x16C10] =	vst v1;
	v1 =	vld [tilespmem:s16+$0xA820]  }
0x84: {  	[tilespmem:s16+$0x16C20] =	vst v2;
	v2 =	vld [tilespmem:s16+$0xA830]  }
0x85: {  	[tilespmem:s16+$0x16C30] =	vst v3;
	v3 =	vld [tilespmem:s16+$0xC400]  }
0x86: {  	[tilespmem:s16+$0x18800] =	vst v4;
	v4 =	vld [tilespmem:s16+$0xC410]  }
.Ltmp1:
0x87: {  	[tilespmem:s16+$0x18810] =	vst v0;
	v0 =	vld [tilespmem:s16+$0xC420];
	(pc) =	sbr.rel @p0 .LBB2_5-.Ltmp1, $4  }
0x88: {  	[tilespmem:s16+$0x18820] =	vst v1;
	v1 =	vld [tilespmem:s16+$0xC430]  }
0x89: {  	[tilespmem:s16+$0x18830] =	vst v2;
	v2 =	vld [tilespmem:s16+$0xE000]  }
0x8a: {  	[tilespmem:s16+$0x1A400] =	vst v3;
	v3 =	vld [tilespmem:s16+$0xE010]  }
0x8b: {  	s6 =	sshra.s32 s9, $0x2;
	s9 =	sadd.s32 $0x200, s9;
	[tilespmem:s16+$0x1A410] =	vst v4;
	v4 =	vld [tilespmem:s16+$0xE020]  }
0x8c: {  	v5 =	vld [tilespmem:s6+$0xE030];
	[tilespmem:s16+$0x1A420] =	vst v0  }
0x8d: {  	v0 =	vld [tilespmem:s6+$0x8C00];
	[tilespmem:s16+$0x1A430] =	vst v1  }
0x8e: {  	v1 =	vld [tilespmem:s6+$0x8C10];
	[tilespmem:s16+$0x1C000] =	vst v2  }
0x8f: {  	v2 =	vld [tilespmem:s6+$0x8C20];
	[tilespmem:s16+$0x1C010] =	vst v3  }
0x90: {  	v3 =	vld [tilespmem:s6+$0x8C30];
	[tilespmem:s16+$0x1C020] =	vst v4  }
0x91: {  	v4 =	vld [tilespmem:s6+$0xA800];
	[tilespmem:s6+$0x1C030] =	vst v5  }
0x92: {  	v54 =	vld [tilespmem:s6+$0xA810];
	[tilespmem:s6+$0x16C00] =	vst v0  }
0x93: {  	v55 =	vld [tilespmem:s6+$0xA820];
	[tilespmem:s6+$0x16C10] =	vst v1  }
0x94: {  	v56 =	vld [tilespmem:s6+$0xA830];
	[tilespmem:s6+$0x16C20] =	vst v2  }
0x95: {  	v57 =	vld [tilespmem:s6+$0xC400];
	[tilespmem:s6+$0x16C30] =	vst v3  }
0x96: {  	v58 =	vld [tilespmem:s6+$0xC410];
	[tilespmem:s6+$0x18800] =	vst v4  }
0x97: {  	v59 =	vld [tilespmem:s6+$0xC420];
	[tilespmem:s6+$0x18810] =	vst v54  }
0x98: {  	v60 =	vld [tilespmem:s6+$0xC430];
	[tilespmem:s6+$0x18820] =	vst v55  }
0x99: {  	v61 =	vld [tilespmem:s6+$0xE000];
	[tilespmem:s6+$0x18830] =	vst v56  }
0x9a: {  	v62 =	vld [tilespmem:s6+$0xE010];
	[tilespmem:s6+$0x1A400] =	vst v57  }
0x9b: {  	v63 =	vld [tilespmem:s6+$0xE020];
	[tilespmem:s6+$0x1A410] =	vst v58  }
0x9c: {  	s9 =	sadd.s32 s14, s5;
	[tilespmem:s6+$0x1A420] =	vst v59  }
0x9d: {  	s9 =	smul.u32 $0x380, s9;
	[tilespmem:s6+$0x1A430] =	vst v60  }
0x9e: {  	[tilespmem:s6+$0x1C000] =	vst v61  }
0x9f: {  	s9 =	sadd.s32 s4, s9;
	[tilespmem:s6+$0x1C010] =	vst v62  }
0xa0: {  	s16 =	sadd.s32 $0xE00, s9;
	[tilespmem:s6+$0x1C020] =	vst v63  }
0xa1: {  	[hbm4b:s16+s3] =	stream.linear.scatter [tilespmem:s25], [sflag:$0x4], $0x1900, $0x38;
	[tilespmem:$0x1DC00] =	vst v63  }
0xa2: {  	s14 =	sadd.s32 $0x1180, s9  }
0xa3: {  	[hbm4b:s14+s3] =	stream.linear.scatter [tilespmem:s26], [sflag:$0x4], $0x1900, $0x38;
	[tilespmem:$0x1DC00] =	vst v63  }
0xa4: {  	s16 =	sadd.s32 $0x1500, s9  }
0xa5: {  	[hbm4b:s16+s3] =	stream.linear.scatter [tilespmem:s28], [sflag:$0x4], $0x1900, $0x38;
	[tilespmem:$0x1DC00] =	vst v63  }
0xa6: {  	s2 =	sadd.s32 $0x1, s2;
	s9 =	sadd.s32 $0x1880, s9  }
0xa7: {  	[hbm4b:s9+s3] =	stream.linear.scatter [tilespmem:s29], [sflag:$0x4], $0x1900, $0x38;
	[tilespmem:$0x1DC00] =	vst v63  }
0xa8: {  	p0 =	sne.s32 s2, $0xF;
	_ =	swait.ge [sflag:s30], $0x6400  }
.Ltmp2:
0xa9: {  	[sflag:s30] =	ssyncset.done $0x0;
	(pc) =	sbr.rel @p0 .LBB2_2-.Ltmp2, $4  }
0xaa: {  	s14 =	sadd.s32 $0x2A0, s0;
	[sflag:s30] =	ssyncadd.s32 $0xFFFF9C00  }
0xab: {  	[tilespmem:s15], [sflag:$0x2] =	stream.indirect.gather [hbm4b:s1+s11], $0x80, s14, s11, $0xb8;
	[tilespmem:$0x1DC00] =	vst v63  }
0xac: {  	s16 =	sadd.s32 $0x310, s0  }
0xad: {  	[tilespmem:s17], [sflag:$0x2] =	stream.indirect.gather [hbm4b:s1+s11], $0x80, s16, s11, $0xb8;
	[tilespmem:$0x1DC00] =	vst v63  }
0xae: {  	_ =	swait.ge [sflag:s18], $0x3800  }
0xaf: {  	[sflag:s18] =	ssyncset.done $0x0  }
0xb0: {  	[sflag:s18] =	ssyncadd.s32 $0xFFFFC800  }
0xb1: {  	_ =	swait.ge [sflag:s18], $0x3800  }
0xb2: {  	[sflag:s18] =	ssyncset.done $0x0  }
0xb3: {  	s0 =	simm.s32 $0x0;
	[sflag:s18] =	ssyncadd.s32 $0xFFFFC800  }
0xb4: {  	v0 =	vld [tilespmem:s0+$0x7030]  }
0xb5: {  	v1 =	vld [tilespmem:s0+$0x1C00]  }
0xb6: {  	v2 =	vld [tilespmem:s0+$0x1C10]  }
0xb7: {  	v3 =	vld [tilespmem:s0+$0x1C20]  }
0xb8: {  	v4 =	vld [tilespmem:s0+$0x1C30]  }
0xb9: {  	v5 =	vld [tilespmem:s0+$0x3800];
	[tilespmem:s0+$0x15030] =	vst v0  }
0xba: {  	[tilespmem:s0+$0xFC00] =	vst v1;
	v0 =	vld [tilespmem:s0+$0x3810]  }
0xbb: {  	[tilespmem:s0+$0xFC10] =	vst v2;
	v1 =	vld [tilespmem:s0+$0x3820]  }
0xbc: {  	[tilespmem:s0+$0xFC20] =	vst v3;
	v2 =	vld [tilespmem:s0+$0x3830]  }
0xbd: {  	[tilespmem:s0+$0xFC30] =	vst v4;
	v3 =	vld [tilespmem:s0+$0x5400]  }
0xbe: {  	[tilespmem:s0+$0x11800] =	vst v5;
	v4 =	vld [tilespmem:s0+$0x5410]  }
0xbf: {  	[tilespmem:s0+$0x11810] =	vst v0;
	v0 =	vld [tilespmem:s0+$0x5420]  }
0xc0: {  	[tilespmem:s0+$0x11820] =	vst v1;
	v1 =	vld [tilespmem:s0+$0x5430]  }
0xc1: {  	[tilespmem:s0+$0x11830] =	vst v2;
	v2 =	vld [tilespmem:s0+$0x7000]  }
0xc2: {  	[tilespmem:s0+$0x13400] =	vst v3;
	v3 =	vld [tilespmem:s0+$0x7010]  }
0xc3: {  	s2 =	simm.s32 $0x80;
	s6 =	simm.s32 $0x400;
	[tilespmem:s0+$0x13410] =	vst v4;
	v4 =	vld [tilespmem:s0+$0x7020]  }
.LBB2_8:
0xc4: {  	p0 =	sne.s32 s6, $0x6200;
	v5 =	vld [tilespmem:s2+$0x7030];
	[tilespmem:s0+$0x13420] =	vst v0  }
0xc5: {  	v0 =	vld [tilespmem:s2+$0x1C00];
	[tilespmem:s0+$0x13430] =	vst v1  }
0xc6: {  	v1 =	vld [tilespmem:s2+$0x1C10];
	[tilespmem:s0+$0x15000] =	vst v2  }
0xc7: {  	v2 =	vld [tilespmem:s2+$0x1C20];
	[tilespmem:s0+$0x15010] =	vst v3  }
0xc8: {  	v3 =	vld [tilespmem:s2+$0x1C30];
	[tilespmem:s0+$0x15020] =	vst v4;
	s0 =	smov.u32 s2  }
0xc9: {  	v4 =	vld [tilespmem:s0+$0x3800];
	[tilespmem:s0+$0x15030] =	vst v5  }
0xca: {  	[tilespmem:s0+$0xFC00] =	vst v0;
	v0 =	vld [tilespmem:s0+$0x3810]  }
0xcb: {  	[tilespmem:s0+$0xFC10] =	vst v1;
	v1 =	vld [tilespmem:s0+$0x3820]  }
0xcc: {  	[tilespmem:s0+$0xFC20] =	vst v2;
	v2 =	vld [tilespmem:s0+$0x3830]  }
0xcd: {  	[tilespmem:s0+$0xFC30] =	vst v3;
	v3 =	vld [tilespmem:s0+$0x5400]  }
0xce: {  	[tilespmem:s0+$0x11800] =	vst v4;
	v4 =	vld [tilespmem:s0+$0x5410]  }
.Ltmp3:
0xcf: {  	[tilespmem:s0+$0x11810] =	vst v0;
	v0 =	vld [tilespmem:s0+$0x5420];
	(pc) =	sbr.rel @p0 .LBB2_8-.Ltmp3, $4  }
0xd0: {  	[tilespmem:s0+$0x11820] =	vst v1;
	v1 =	vld [tilespmem:s0+$0x5430]  }
0xd1: {  	[tilespmem:s0+$0x11830] =	vst v2;
	v2 =	vld [tilespmem:s0+$0x7000]  }
0xd2: {  	[tilespmem:s0+$0x13400] =	vst v3;
	v3 =	vld [tilespmem:s0+$0x7010]  }
0xd3: {  	s2 =	sshra.s32 s6, $0x2;
	s6 =	sadd.s32 $0x200, s6;
	[tilespmem:s0+$0x13410] =	vst v4;
	v4 =	vld [tilespmem:s0+$0x7020]  }
0xd4: {  	v5 =	vld [tilespmem:s2+$0x7030];
	[tilespmem:s0+$0x13420] =	vst v0  }
0xd5: {  	v0 =	vld [tilespmem:s2+$0x1C00];
	[tilespmem:s0+$0x13430] =	vst v1  }
0xd6: {  	v1 =	vld [tilespmem:s2+$0x1C10];
	[tilespmem:s0+$0x15000] =	vst v2  }
0xd7: {  	v2 =	vld [tilespmem:s2+$0x1C20];
	[tilespmem:s0+$0x15010] =	vst v3  }
0xd8: {  	v3 =	vld [tilespmem:s2+$0x1C30];
	[tilespmem:s0+$0x15020] =	vst v4  }
0xd9: {  	v4 =	vld [tilespmem:s2+$0x3800];
	[tilespmem:s2+$0x15030] =	vst v5  }
0xda: {  	[tilespmem:s2+$0xFC00] =	vst v0;
	v0 =	vld [tilespmem:s2+$0x3810]  }
0xdb: {  	[tilespmem:s2+$0xFC10] =	vst v1;
	v1 =	vld [tilespmem:s2+$0x3820]  }
0xdc: {  	[tilespmem:s2+$0xFC20] =	vst v2;
	v2 =	vld [tilespmem:s2+$0x3830]  }
0xdd: {  	[tilespmem:s2+$0xFC30] =	vst v3;
	v3 =	vld [tilespmem:s2+$0x5400]  }
0xde: {  	[tilespmem:s2+$0x11800] =	vst v4;
	v4 =	vld [tilespmem:s2+$0x5410]  }
0xdf: {  	[tilespmem:s2+$0x11810] =	vst v0;
	v0 =	vld [tilespmem:s2+$0x5420]  }
0xe0: {  	[tilespmem:s2+$0x11820] =	vst v1;
	v1 =	vld [tilespmem:s2+$0x5430]  }
0xe1: {  	[tilespmem:s2+$0x11830] =	vst v2;
	v2 =	vld [tilespmem:s2+$0x7000]  }
0xe2: {  	[tilespmem:s2+$0x13400] =	vst v3;
	v3 =	vld [tilespmem:s2+$0x7010]  }
0xe3: {  	[tilespmem:s2+$0x13410] =	vst v4;
	v4 =	vld [tilespmem:s2+$0x7020]  }
0xe4: {  	[tilespmem:s2+$0x13420] =	vst v0  }
0xe5: {  	[tilespmem:s2+$0x13430] =	vst v1  }
0xe6: {  	[tilespmem:s2+$0x15000] =	vst v2  }
0xe7: {  	[tilespmem:s2+$0x15010] =	vst v3  }
0xe8: {  	s6 =	simm.s32 $0x0;
	[tilespmem:s2+$0x15020] =	vst v4  }
0xe9: {  	[hbm4b:s7+s6] =	stream.linear.scatter [tilespmem:s19], [sflag:$0x3], $0x1900, $0x38;
	[tilespmem:$0x1DC00] =	vst v63  }
0xea: {  	s9 =	sadd.s32 $0x380, s7  }
0xeb: {  	[hbm4b:s9+s6] =	stream.linear.scatter [tilespmem:s20], [sflag:$0x3], $0x1900, $0x38;
	[tilespmem:$0x1DC00] =	vst v63  }
0xec: {  	s14 =	sadd.s32 $0x700, s7  }
0xed: {  	[hbm4b:s14+s6] =	stream.linear.scatter [tilespmem:s21], [sflag:$0x3], $0x1900, $0x38;
	[tilespmem:$0x1DC00] =	vst v63  }
0xee: {  	s16 =	sadd.s32 $0xA80, s7  }
0xef: {  	[hbm4b:s16+s6] =	stream.linear.scatter [tilespmem:s22], [sflag:$0x3], $0x1900, $0x38;
	[tilespmem:$0x1DC00] =	vst v63  }
0xf0: {  	_ =	swait.ge [sflag:s23], $0x6400  }
0xf1: {  	[sflag:s23] =	ssyncset.done $0x0  }
0xf2: {  	[sflag:s23] =	ssyncadd.s32 $0xFFFF9C00  }
0xf3: {  	_ =	swait.ge [sflag:s24], $0x3800  }
0xf4: {  	[sflag:s24] =	ssyncset.done $0x0  }
0xf5: {  	[sflag:s24] =	ssyncadd.s32 $0xFFFFC800  }
0xf6: {  	_ =	swait.ge [sflag:s24], $0x3800  }
0xf7: {  	[sflag:s24] =	ssyncset.done $0x0  }
0xf8: {  	s0 =	simm.s32 $0x0;
	[sflag:s24] =	ssyncadd.s32 $0xFFFFC800  }
0xf9: {  	v0 =	vld [tilespmem:s0+$0xE030]  }
0xfa: {  	v1 =	vld [tilespmem:s0+$0x8C00]  }
0xfb: {  	v2 =	vld [tilespmem:s0+$0x8C10]  }
0xfc: {  	v3 =	vld [tilespmem:s0+$0x8C20]  }
0xfd: {  	v4 =	vld [tilespmem:s0+$0x8C30]  }
0xfe: {  	v5 =	vld [tilespmem:s0+$0xA800];
	[tilespmem:s0+$0x1C030] =	vst v0  }
0xff: {  	[tilespmem:s0+$0x16C00] =	vst v1;
	v0 =	vld [tilespmem:s0+$0xA810]  }
0x100: {  	[tilespmem:s0+$0x16C10] =	vst v2;
	v1 =	vld [tilespmem:s0+$0xA820]  }
0x101: {  	[tilespmem:s0+$0x16C20] =	vst v3;
	v2 =	vld [tilespmem:s0+$0xA830]  }
0x102: {  	[tilespmem:s0+$0x16C30] =	vst v4;
	v3 =	vld [tilespmem:s0+$0xC400]  }
0x103: {  	[tilespmem:s0+$0x18800] =	vst v5;
	v4 =	vld [tilespmem:s0+$0xC410]  }
0x104: {  	[tilespmem:s0+$0x18810] =	vst v0;
	v0 =	vld [tilespmem:s0+$0xC420]  }
0x105: {  	[tilespmem:s0+$0x18820] =	vst v1;
	v1 =	vld [tilespmem:s0+$0xC430]  }
0x106: {  	[tilespmem:s0+$0x18830] =	vst v2;
	v2 =	vld [tilespmem:s0+$0xE000]  }
0x107: {  	[tilespmem:s0+$0x1A400] =	vst v3;
	v3 =	vld [tilespmem:s0+$0xE010]  }
0x108: {  	s2 =	simm.s32 $0x80;
	s6 =	simm.s32 $0x400;
	[tilespmem:s0+$0x1A410] =	vst v4;
	v4 =	vld [tilespmem:s0+$0xE020]  }
.LBB2_10:
0x109: {  	p0 =	sne.s32 s6, $0x6200;
	v5 =	vld [tilespmem:s2+$0xE030];
	[tilespmem:s0+$0x1A420] =	vst v0  }
0x10a: {  	v0 =	vld [tilespmem:s2+$0x8C00];
	[tilespmem:s0+$0x1A430] =	vst v1  }
0x10b: {  	v1 =	vld [tilespmem:s2+$0x8C10];
	[tilespmem:s0+$0x1C000] =	vst v2  }
0x10c: {  	v2 =	vld [tilespmem:s2+$0x8C20];
	[tilespmem:s0+$0x1C010] =	vst v3  }
0x10d: {  	v3 =	vld [tilespmem:s2+$0x8C30];
	[tilespmem:s0+$0x1C020] =	vst v4;
	s0 =	smov.u32 s2  }
0x10e: {  	v4 =	vld [tilespmem:s0+$0xA800];
	[tilespmem:s0+$0x1C030] =	vst v5  }
0x10f: {  	[tilespmem:s0+$0x16C00] =	vst v0;
	v0 =	vld [tilespmem:s0+$0xA810]  }
0x110: {  	[tilespmem:s0+$0x16C10] =	vst v1;
	v1 =	vld [tilespmem:s0+$0xA820]  }
0x111: {  	[tilespmem:s0+$0x16C20] =	vst v2;
	v2 =	vld [tilespmem:s0+$0xA830]  }
0x112: {  	[tilespmem:s0+$0x16C30] =	vst v3;
	v3 =	vld [tilespmem:s0+$0xC400]  }
0x113: {  	[tilespmem:s0+$0x18800] =	vst v4;
	v4 =	vld [tilespmem:s0+$0xC410]  }
.Ltmp4:
0x114: {  	[tilespmem:s0+$0x18810] =	vst v0;
	v0 =	vld [tilespmem:s0+$0xC420];
	(pc) =	sbr.rel @p0 .LBB2_10-.Ltmp4, $4  }
0x115: {  	[tilespmem:s0+$0x18820] =	vst v1;
	v1 =	vld [tilespmem:s0+$0xC430]  }
0x116: {  	[tilespmem:s0+$0x18830] =	vst v2;
	v2 =	vld [tilespmem:s0+$0xE000]  }
0x117: {  	[tilespmem:s0+$0x1A400] =	vst v3;
	v3 =	vld [tilespmem:s0+$0xE010]  }
0x118: {  	s2 =	sshra.s32 s6, $0x2;
	s6 =	sadd.s32 $0x200, s6;
	[tilespmem:s0+$0x1A410] =	vst v4;
	v4 =	vld [tilespmem:s0+$0xE020]  }
0x119: {  	v5 =	vld [tilespmem:s2+$0xE030];
	[tilespmem:s0+$0x1A420] =	vst v0  }
0x11a: {  	v0 =	vld [tilespmem:s2+$0x8C00];
	[tilespmem:s0+$0x1A430] =	vst v1  }
0x11b: {  	v1 =	vld [tilespmem:s2+$0x8C10];
	[tilespmem:s0+$0x1C000] =	vst v2  }
0x11c: {  	v2 =	vld [tilespmem:s2+$0x8C20];
	[tilespmem:s0+$0x1C010] =	vst v3  }
0x11d: {  	v3 =	vld [tilespmem:s2+$0x8C30];
	[tilespmem:s0+$0x1C020] =	vst v4  }
0x11e: {  	v4 =	vld [tilespmem:s2+$0xA800];
	[tilespmem:s2+$0x1C030] =	vst v5  }
0x11f: {  	v54 =	vld [tilespmem:s2+$0xA810];
	[tilespmem:s2+$0x16C00] =	vst v0  }
0x120: {  	v55 =	vld [tilespmem:s2+$0xA820];
	[tilespmem:s2+$0x16C10] =	vst v1  }
0x121: {  	v56 =	vld [tilespmem:s2+$0xA830];
	[tilespmem:s2+$0x16C20] =	vst v2  }
0x122: {  	v57 =	vld [tilespmem:s2+$0xC400];
	[tilespmem:s2+$0x16C30] =	vst v3  }
0x123: {  	v58 =	vld [tilespmem:s2+$0xC410];
	[tilespmem:s2+$0x18800] =	vst v4  }
0x124: {  	v59 =	vld [tilespmem:s2+$0xC420];
	[tilespmem:s2+$0x18810] =	vst v54  }
0x125: {  	v60 =	vld [tilespmem:s2+$0xC430];
	[tilespmem:s2+$0x18820] =	vst v55  }
0x126: {  	v61 =	vld [tilespmem:s2+$0xE000];
	[tilespmem:s2+$0x18830] =	vst v56  }
0x127: {  	v62 =	vld [tilespmem:s2+$0xE010];
	[tilespmem:s2+$0x1A400] =	vst v57  }
0x128: {  	v63 =	vld [tilespmem:s2+$0xE020];
	[tilespmem:s2+$0x1A410] =	vst v58  }
0x129: {  	[tilespmem:s2+$0x1A420] =	vst v59  }
0x12a: {  	[tilespmem:s2+$0x1A430] =	vst v60  }
0x12b: {  	[tilespmem:s2+$0x1C000] =	vst v61  }
0x12c: {  	[tilespmem:s2+$0x1C010] =	vst v62  }
0x12d: {  	[tilespmem:s2+$0x1C020] =	vst v63  }
0x12e: {  	[hbm4b:s8+s3] =	stream.linear.scatter [tilespmem:s25], [sflag:$0x4], $0x1900, $0x38;
	[tilespmem:$0x1DC00] =	vst v63  }
0x12f: {  	s6 =	sadd.s32 $0x380, s8  }
0x130: {  	[hbm4b:s6+s3] =	stream.linear.scatter [tilespmem:s26], [sflag:$0x4], $0x1900, $0x38;
	[tilespmem:$0x1DC00] =	vst v63  }
0x131: {  	s9 =	sadd.s32 $0x700, s8  }
0x132: {  	[hbm4b:s9+s3] =	stream.linear.scatter [tilespmem:s28], [sflag:$0x4], $0x1900, $0x38;
	[tilespmem:$0x1DC00] =	vst v63  }
0x133: {  	s14 =	sadd.s32 $0xA80, s8  }
0x134: {  	[hbm4b:s14+s3] =	stream.linear.scatter [tilespmem:s29], [sflag:$0x4], $0x1900, $0x38;
	[tilespmem:$0x1DC00] =	vst v63  }
0x135: {  	_ =	swait.ge [sflag:s30], $0x6400  }
0x136: {  	s31 =	sadd.s32 $0x1, s31;
	s16 =	rddreg [dreg:$0x5]  }
0x137: {  	p0 =	sne.s32 s31, s16  }
.Ltmp5:
0x138: {  	_ = 	snop;
	(pc) =	sbr.rel @p0 .LBB2_1-.Ltmp5, $3  }
0x139: {  	_ =	sdelay $0x1  }
0x13a: {  	[sflag:s30] =	ssyncset.done $0x0  }
0x13b: {  	[sflag:s30] =	ssyncadd.s32 $0xFFFF9C00  }
0x13c: {  	_ =	sfence.sel $0x180000  }
0x13d: {  	[bflag:$0x0] =	sbarrier.arrive $0xFFFF  }
0x13e: {  	_ =	strace $0x90000047  }
0x13f: {  	s0 =	stileid.u32;
	[bflag:$0x2] =	sbarrier.arrive $0xFFFF  }
0x140: {  	p0 =	sne.s32 s0, $0x0;
	s0 =	rddreg [dreg:$0x3]  }
0x141: {  	s0 =	sadd.s32 @!p0 $0x100000, s0  }
0x142: {  	[sflag:s0] =	ssyncadd.tile.s32 @!p0 $0x1;
	_ =	shalt  }
.Lfunc_end2:
_tile_overlayer_lowered:
.L_overlay_start_2:
0x143: {  	(tag) =	ssettag $0x2  }
0x144: {  	s0 =	rddreg [dreg:$0x0];
	s2 =	stileid.u32  }
0x145: {  	s1 =	rddreg [dreg:$0x1];
	p0 =	sne.s32 s2, $0x0  }
0x146: {  	s3 =	rddreg [dreg:$0x2];
	[bflag:$0x3] =	sbarrier.arrive $0xFFFF;
	s2 =	simm.s32 @!p0 $0x1C05  }
0x147: {  	[timem:s3], [sflag:s2] =	dma.local @!p0 [hbm:s0], s1  }
0x148: {  	s0 =	simm.s32 @!p0 $0x5  }
0x149: {  	_ =	swait.ge @!p0 [sflag:s0], s1  }
0x14a: {  	s1 =	ssub.s32 @!p0 $0x0, s1;
	[sflag:s0] =	ssyncset.done @!p0 $0x0  }
0x14b: {  	[sflag:s0] =	ssyncadd.s32 @!p0 s1  }
0x14c: {  	[bflag:$0x3] =	sbarrier.arrive $0xFFFF  }
0x14d: {  	_ =	shalt  }

</sc_bundles>
